<compile_context>
chip_gen: v7x
topology: tpu7x:2x2x1
jax: 0.10.2.dev20260603
libtpu: 0.0.44.dev20260713+nightly
codegen_flags: <defaults>
</compile_context>

<pallas_src>
import functools
import math

import jax
import jax.numpy as jnp
import numpy as np
from jax import lax
from jax.experimental import pallas as pl
from jax.experimental.pallas import tpu as pltpu
from jax.experimental.pallas import tpu_sc as plsc

N = 10000
E = 160000
D = 256
NHEAD = 8
HDIM = D // NHEAD

NC = 2
NS = 16
HALF = D // 2
NP = 10112

_MESH = functools.partial(
    plsc.VectorSubcoreMesh, core_axis_name="c", subcore_axis_name="s",
    num_cores=NC, num_subcores=NS)


BN = 1000


def _qkv_body(x_ref, wq_ref, wk_ref, wv_ref, b_ref, q_ref, k_ref, v_ref):
    x = x_ref[...]
    b = b_ref[...]
    xq = jnp.dot(x, wq_ref[...], preferred_element_type=jnp.float32, precision=lax.Precision.HIGHEST) + b[0:1, :]
    xk = jnp.dot(x, wk_ref[...], preferred_element_type=jnp.float32, precision=lax.Precision.HIGHEST) + b[1:2, :]
    xv = jnp.dot(x, wv_ref[...], preferred_element_type=jnp.float32, precision=lax.Precision.HIGHEST) + b[2:3, :]
    q_ref[0] = xq[:, :HALF]
    q_ref[1] = xq[:, HALF:]
    k_ref[0] = xk[:, :HALF]
    k_ref[1] = xk[:, HALF:]
    v_ref[0] = xv[:, :HALF]
    v_ref[1] = xv[:, HALF:]


def _qkv_proj(feats, wqt, wkt, wvt, b3):
    grid = (N // BN,)
    spec_x = pl.BlockSpec((BN, D), lambda i: (i, 0))
    spec_w = pl.BlockSpec((D, D), lambda i: (0, 0))
    spec_b = pl.BlockSpec((3, D), lambda i: (0, 0))
    out = pl.BlockSpec((2, BN, HALF), lambda i: (0, i, 0))
    shp = jax.ShapeDtypeStruct((2, N, HALF), jnp.float32)
    return pl.pallas_call(
        _qkv_body, grid=grid,
        in_specs=[spec_x, spec_w, spec_w, spec_w, spec_b],
        out_specs=[out, out, out],
        out_shape=[shp, shp, shp],
    )(feats, wqt, wkt, wvt, b3)


GB = 200
EPT = E // NS
GCH = EPT // GB


def _gather_body(q2, k2, v2, cidx, ridx, prod2, vr2, cbuf, rbuf, qbuf, kbuf,
                 vbuf, semq, semk, semv, semw):
    g = lax.axis_index("c")
    s = lax.axis_index("s")

    def drain2():
        pltpu.make_async_copy(prod2.at[g, pl.ds(0, GB)], qbuf, semw).wait()
        pltpu.make_async_copy(prod2.at[g, pl.ds(0, GB)], qbuf, semw).wait()

    def chunk(t, _):
        base = s * EPT + t * GB
        pltpu.sync_copy(cidx.at[pl.ds(base, GB)], cbuf)
        pltpu.sync_copy(ridx.at[pl.ds(base, GB)], rbuf)

        @pl.when(t > 0)
        def _():
            drain2()

        dq = pltpu.async_copy(q2.at[g].at[cbuf], qbuf, semq)
        dk = pltpu.async_copy(k2.at[g].at[rbuf], kbuf, semk)
        dv = pltpu.async_copy(v2.at[g].at[rbuf], vbuf, semv)
        dq.wait()
        dk.wait()

        def row(i, _):
            for u in range(4):
                for j in range(HALF // 16):
                    sl = pl.ds(j * 16, 16)
                    qbuf[i + u, sl] = qbuf[i + u, sl] * kbuf[i + u, sl]
            return 0

        lax.fori_loop(0, GB // 4, lambda i, a: row(i * 4, a), 0)
        pltpu.async_copy(qbuf, prod2.at[g, pl.ds(base, GB)], semw)
        dv.wait()
        pltpu.async_copy(vbuf, vr2.at[g, pl.ds(base, GB)], semw)
        return 0

    lax.fori_loop(0, GCH, chunk, 0)
    drain2()


def _gather_qkv(q2, k2, v2, cidx, ridx):
    shp = jax.ShapeDtypeStruct((2, E, HALF), jnp.float32)
    fn = pl.kernel(
        _gather_body,
        out_type=[shp, shp],
        mesh=_MESH(),
        scratch_types=[
            pltpu.VMEM((GB,), jnp.int32),
            pltpu.VMEM((GB,), jnp.int32),
            pltpu.VMEM((GB, HALF), jnp.float32),
            pltpu.VMEM((GB, HALF), jnp.float32),
            pltpu.VMEM((GB, HALF), jnp.float32),
            pltpu.SemaphoreType.DMA,
            pltpu.SemaphoreType.DMA,
            pltpu.SemaphoreType.DMA,
            pltpu.SemaphoreType.DMA,
        ],
    )
    return fn(q2, k2, v2, cidx, ridx)


BE = 2000


def _dot2(x, m_ref):
    xh = x.astype(jnp.bfloat16)
    xl = (x - xh.astype(jnp.float32)).astype(jnp.bfloat16)
    m = m_ref[...]
    return (jnp.dot(xh, m, preferred_element_type=jnp.float32)
            + jnp.dot(xl, m, preferred_element_type=jnp.float32))


def _score_body(p2_ref, vr2_ref, b0_ref, b1_ref, pexp_ref, o_ref, w_ref):
    s = (_dot2(p2_ref[0], b0_ref) + _dot2(p2_ref[1], b1_ref)) * (
        1.0 / math.sqrt(HDIM))
    ex = jnp.exp(s)
    aexp = _dot2(ex, pexp_ref)
    w0 = aexp[:, :HALF]
    w1 = aexp[:, HALF:]
    o_ref[0] = w0 * vr2_ref[0]
    o_ref[1] = w1 * vr2_ref[1]
    w_ref[0] = w0
    w_ref[1] = w1


def _score_weight(prod2, vr2, b0, b1, pexp):
    grid = (E // BE,)
    oshape = jax.ShapeDtypeStruct((2, E, HALF), jnp.float32)
    ospec = pl.BlockSpec((2, BE, HALF), lambda i: (0, i, 0))
    return pl.pallas_call(
        _score_body, grid=grid,
        in_specs=[ospec, ospec,
                  pl.BlockSpec((HALF, 16), lambda i: (0, 0)),
                  pl.BlockSpec((HALF, 16), lambda i: (0, 0)),
                  pl.BlockSpec((16, D), lambda i: (0, 0))],
        out_specs=[ospec, ospec],
        out_shape=[oshape, oshape],
    )(prod2, vr2, b0, b1, pexp)


AB = 200
ACH = E // NS // AB


def _agg_body(o, w, cidx, z128, agg2, denw, acc, cbuf, obuf, semr):
    g = lax.axis_index("c")
    s = lax.axis_index("s")
    rows = NP // NS
    rsl = pl.ds(s * rows, rows)

    for src_ref, dst_ref in ((o, agg2), (w, denw)):
        pltpu.sync_copy(z128.at[rsl], acc.at[rsl])
        plsc.subcore_barrier()

        def scat(t, _, src_ref=src_ref):
            base = s * (E // NS) + t * AB
            dr = pltpu.async_copy(src_ref.at[g].at[pl.ds(base, AB)], obuf,
                                  semr)
            pltpu.sync_copy(cidx.at[pl.ds(base, AB)], cbuf)
            dr.wait()
            pltpu.sync_copy(obuf, acc.at[cbuf], add=True)
            return 0

        lax.fori_loop(0, ACH, scat, 0)
        plsc.subcore_barrier()
        pltpu.sync_copy(acc.at[rsl], dst_ref.at[g, rsl])
        plsc.subcore_barrier()


def _agg(o, w, cidx, z128):
    shp = jax.ShapeDtypeStruct((NC, NP, HALF), jnp.float32)
    fn = pl.kernel(
        _agg_body,
        out_type=[shp, shp],
        mesh=_MESH(),
        scratch_types=[
            pltpu.VMEM_SHARED((NP, HALF), jnp.float32),
            pltpu.VMEM((AB,), jnp.int32),
            pltpu.VMEM((AB, HALF), jnp.float32),
            pltpu.SemaphoreType.DMA,
        ],
    )
    return fn(o, w, cidx, z128)




def _final_body(a_ref, d_ref, w0_ref, w1_ref, b_ref, out_ref):
    n0 = a_ref[0] / (d_ref[0] + 1e-16)
    n1 = a_ref[1] / (d_ref[1] + 1e-16)
    acc = jnp.dot(n0, w0_ref[...], preferred_element_type=jnp.float32, precision=lax.Precision.HIGHEST)
    acc += jnp.dot(n1, w1_ref[...], preferred_element_type=jnp.float32, precision=lax.Precision.HIGHEST)
    out_ref[...] = acc + b_ref[...]


def _final_proj(agg2, denw, wot0, wot1, bo2):
    grid = (N // BN,)
    aspec = pl.BlockSpec((2, BN, HALF), lambda i: (0, i, 0))
    return pl.pallas_call(
        _final_body, grid=grid,
        in_specs=[aspec, aspec,
                  pl.BlockSpec((HALF, D), lambda i: (0, 0)),
                  pl.BlockSpec((HALF, D), lambda i: (0, 0)),
                  pl.BlockSpec((1, D), lambda i: (0, 0))],
        out_specs=pl.BlockSpec((BN, D), lambda i: (i, 0)),
        out_shape=jax.ShapeDtypeStruct((N, D), jnp.float32),
    )(agg2, denw, wot0, wot1, bo2)




def kernel(feats, edge_index, edge_attr, Wq, bq, Wk, bk, Wv, bv, Wo, bo):
    del edge_attr
    r = edge_index[:, 0]
    c = edge_index[:, 1]

    wqt = Wq.T
    wkt = Wk.T
    wvt = Wv.T
    b3 = jnp.stack([bq, bk, bv], axis=0)

    bd = np.zeros((D, 16), np.float32)
    for h in range(NHEAD):
        bd[h * HDIM:(h + 1) * HDIM, h] = 1.0
    b0 = jnp.asarray(bd[:HALF], dtype=jnp.bfloat16)
    b1 = jnp.asarray(bd[HALF:], dtype=jnp.bfloat16)

    pexp = np.zeros((16, D), np.float32)
    for h in range(NHEAD):
        pexp[h, h * HDIM:(h + 1) * HDIM] = 1.0
    pexp = jnp.asarray(pexp, dtype=jnp.bfloat16)

    z128 = jnp.zeros((NP, HALF), jnp.float32)

    q2, k2, v2 = _qkv_proj(feats, wqt, wkt, wvt, b3)
    prod2, vr2 = _gather_qkv(q2, k2, v2, c, r)
    o, w = _score_weight(prod2, vr2, b0, b1, pexp)
    agg2, denw = _agg(o, w, c, z128)

    wot = Wo.T
    return _final_proj(agg2, denw, wot[:HALF], wot[HALF:], bo.reshape(1, D))

# --- scband reference (transcript-rebuilt; emitter-appended) ---
"""Pipeline reference for scband-multi-head-dot-product-541165879967 (READ-ONLY COPY).

The authoritative reference and input builder live on the scoring server;
editing this copy changes nothing except your own understanding.
"""

import jax, jax.numpy as jnp
import numpy as np
import math

N = 10000
E = 160000
D = 256
NHEAD = 8
HDIM = D // NHEAD


def setup_inputs(seed: int = 0) -> dict:
    key = jax.random.key(seed)
    ks = jax.random.split(key, 12)
    feats = jax.random.normal(ks[0], (N, D), dtype=jnp.float32)
    edge_index = jax.random.randint(ks[1], (E, 2), 0, N, dtype=jnp.int32)
    edge_attr = jax.random.normal(ks[2], (E, 4), dtype=jnp.float32)
    lim = math.sqrt(6.0 / (D + D))
    Wq = jax.random.uniform(ks[3], (D, D), jnp.float32, -lim, lim)
    Wk = jax.random.uniform(ks[4], (D, D), jnp.float32, -lim, lim)
    Wv = jax.random.uniform(ks[5], (D, D), jnp.float32, -lim, lim)
    Wo = jax.random.uniform(ks[6], (D, D), jnp.float32, -lim, lim)
    bq = jnp.zeros((D,), jnp.float32)
    bk = jnp.zeros((D,), jnp.float32)
    bv = jnp.zeros((D,), jnp.float32)
    bo = jnp.zeros((D,), jnp.float32)
    return {"feats": feats, "edge_index": edge_index, "edge_attr": edge_attr,
            "Wq": Wq, "bq": bq, "Wk": Wk, "bk": bk, "Wv": Wv, "bv": bv,
            "Wo": Wo, "bo": bo}


def reference(feats, edge_index, edge_attr, Wq, bq, Wk, bk, Wv, bv, Wo, bo):
    bs = feats.shape[0]
    # q/k/v projections: [N, D] -> [H, N, hd]
    q = (feats @ Wq.T + bq).reshape(bs, NHEAD, HDIM).transpose(1, 0, 2)
    k = (feats @ Wk.T + bk).reshape(bs, NHEAD, HDIM).transpose(1, 0, 2)
    v = (feats @ Wv.T + bv).reshape(bs, NHEAD, HDIM).transpose(1, 0, 2)
    r = edge_index[:, 0]
    c = edge_index[:, 1]
    # per-edge dot-product scores: [H, E]
    scores = jnp.sum(q[:, c, :] * k[:, r, :], axis=-1) / math.sqrt(HDIM)
    s = scores.T  # [E, H]
    # segment softmax over destination node c
    seg_max = jax.ops.segment_max(s, c, num_segments=bs)  # [N, H]
    ex = jnp.exp(s - seg_max[c])
    denom = jax.ops.segment_sum(ex, c, num_segments=bs)  # [N, H]
    attn = ex / (denom[c] + 1e-16)  # [E, H]
    # dropout is identity (p effectively 0 / eval mode); mult_attr=0 so edge_attr unused
    v_t = v.transpose(1, 0, 2)  # [N, H, hd]
    out_e = attn[:, :, None] * v_t[r]  # [E, H, hd]
    agg = jax.ops.segment_sum(out_e, c, num_segments=bs)  # [N, H, hd]
    feats_out = agg.reshape(bs, NHEAD * HDIM) @ Wo.T + bo
    return feats_out

if __name__ == "__main__":
    import jax
    _d = setup_inputs()
    print(jax.jit(kernel)(*tuple(_d.values())))

</pallas_src>

<mosaic_0001>
#map = affine_map<(d0, d1) -> (0, 0, 0)>
#map1 = affine_map<(d0, d1) -> (0)>
module attributes {stable_mosaic.version = 14 : i64} {
  func.func @_gather_body(%arg0: i32, %arg1: i32, %arg2: memref<2x10000x128xf32, #tpu.memory_space<hbm>>, %arg3: memref<2x10000x128xf32, #tpu.memory_space<hbm>>, %arg4: memref<2x10000x128xf32, #tpu.memory_space<hbm>>, %arg5: memref<160000xi32, #tpu.memory_space<hbm>>, %arg6: memref<160000xi32, #tpu.memory_space<hbm>>, %arg7: memref<2x160000x128xf32, #tpu.memory_space<hbm>>, %arg8: memref<2x160000x128xf32, #tpu.memory_space<hbm>>, %arg9: memref<200xi32, #tpu.memory_space<vmem>>, %arg10: memref<200xi32, #tpu.memory_space<vmem>>, %arg11: memref<200x128xf32, #tpu.memory_space<vmem>>, %arg12: memref<200x128xf32, #tpu.memory_space<vmem>>, %arg13: memref<200x128xf32, #tpu.memory_space<vmem>>, %arg14: memref<!tpu.dma_semaphore, #tpu.memory_space<semaphore_mem>>, %arg15: memref<!tpu.dma_semaphore, #tpu.memory_space<semaphore_mem>>, %arg16: memref<!tpu.dma_semaphore, #tpu.memory_space<semaphore_mem>>, %arg17: memref<!tpu.dma_semaphore, #tpu.memory_space<semaphore_mem>>) attributes {dimension_semantics = [#tpu.dimension_semantics<core_parallel>, #tpu.dimension_semantics<subcore_parallel>], iteration_bounds = array<i64: 2, 16>, scalar_prefetch = 0 : i64, scratch_operands = 9 : i64, tpu.core_type = #tpu.core_type<sc_vector_subcore>, window_params = [{transform_indices = #map}, {transform_indices = #map}, {transform_indices = #map}, {transform_indices = #map1}, {transform_indices = #map1}, {transform_indices = #map}, {transform_indices = #map}]} {
    %scan3A = arith.constant 0 : i32
    %scan3A_0 = arith.constant 0 : i32
    %scan3A_1 = arith.constant 50 : i32
    %scan3A_2 = arith.addi %scan3A_0, %scan3A_1 : i32
    %scan3A_3 = arith.constant 1 : i32
    %scan3A_4 = scf.for %scan3A_21 = %scan3A_0 to %scan3A_2 step %scan3A_3 iter_args(%scan3A_22 = %scan3A) -> (i32)  : i32 {
      %mul3A = arith.constant 10000 : i32
      %mul3A_23 = arith.muli %arg1, %mul3A : i32
      %mul3A_24 = arith.constant 200 : i32
      %mul3A_25 = arith.muli %scan3A_21, %mul3A_24 : i32
      %add3A = arith.addi %mul3A_23, %mul3A_25 : i32
      "tpu.region"() ({
        %run_scoped3A = tpu.sem_alloc : memref<!tpu.dma_semaphore, #tpu.memory_space<semaphore_mem>>
        %dma_start3A_89 = tpu.memref_slice %arg5[%add3A] : memref<160000xi32, #tpu.memory_space<hbm>> -> memref<200xi32, #tpu.memory_space<hbm>>
        %dma_start3A_90 = tpu.memref_slice %arg5[%add3A] : memref<160000xi32, #tpu.memory_space<hbm>> -> memref<200xi32, #tpu.memory_space<hbm>>
        tpu.enqueue_dma source(%dma_start3A_90 : memref<200xi32, #tpu.memory_space<hbm>>) target(%arg9 : memref<200xi32, #tpu.memory_space<vmem>>) target_semaphore(%run_scoped3A : memref<!tpu.dma_semaphore, #tpu.memory_space<semaphore_mem>>)
        %dma_wait3A_91 = tpu.memref_slice %arg5[%add3A] : memref<160000xi32, #tpu.memory_space<hbm>> -> memref<200xi32, #tpu.memory_space<hbm>>
        %dma_wait3A_92 = tpu.memref_slice %arg5[%add3A] : memref<160000xi32, #tpu.memory_space<hbm>> -> memref<200xi32, #tpu.memory_space<hbm>>
        tpu.wait_dma2 semaphore(%run_scoped3A : memref<!tpu.dma_semaphore, #tpu.memory_space<semaphore_mem>>) src(%dma_wait3A_92 : memref<200xi32, #tpu.memory_space<hbm>>) dst(%arg9 : memref<200xi32, #tpu.memory_space<vmem>>)
        tpu.yield
      }) : () -> ()
      "tpu.region"() ({
        %run_scoped3A = tpu.sem_alloc : memref<!tpu.dma_semaphore, #tpu.memory_space<semaphore_mem>>
        %dma_start3A_89 = tpu.memref_slice %arg6[%add3A] : memref<160000xi32, #tpu.memory_space<hbm>> -> memref<200xi32, #tpu.memory_space<hbm>>
        %dma_start3A_90 = tpu.memref_slice %arg6[%add3A] : memref<160000xi32, #tpu.memory_space<hbm>> -> memref<200xi32, #tpu.memory_space<hbm>>
        tpu.enqueue_dma source(%dma_start3A_90 : memref<200xi32, #tpu.memory_space<hbm>>) target(%arg10 : memref<200xi32, #tpu.memory_space<vmem>>) target_semaphore(%run_scoped3A : memref<!tpu.dma_semaphore, #tpu.memory_space<semaphore_mem>>)
        %dma_wait3A_91 = tpu.memref_slice %arg6[%add3A] : memref<160000xi32, #tpu.memory_space<hbm>> -> memref<200xi32, #tpu.memory_space<hbm>>
        %dma_wait3A_92 = tpu.memref_slice %arg6[%add3A] : memref<160000xi32, #tpu.memory_space<hbm>> -> memref<200xi32, #tpu.memory_space<hbm>>
        tpu.wait_dma2 semaphore(%run_scoped3A : memref<!tpu.dma_semaphore, #tpu.memory_space<semaphore_mem>>) src(%dma_wait3A_92 : memref<200xi32, #tpu.memory_space<hbm>>) dst(%arg10 : memref<200xi32, #tpu.memory_space<vmem>>)
        tpu.yield
      }) : () -> ()
      %gt3A = arith.constant 0 : i32
      %gt3A_26 = arith.cmpi sgt, %scan3A_21, %gt3A : i32
      %convert_element_type3A = arith.extui %gt3A_26 : i1 to i32
      %cond3A = arith.constant 0 : i32
      %cond3A_27 = arith.cmpi ne, %convert_element_type3A, %cond3A : i32
      scf.if %cond3A_27 {
        %dma_wait3A_89 = arith.constant 0 : i32
        %dma_wait3A_90 = arith.constant 0 : i32
        %dma_wait3A_91 = tpu.memref_slice %arg7[%arg0, %dma_wait3A_89, %dma_wait3A_90] : memref<2x160000x128xf32, #tpu.memory_space<hbm>> -> memref<1x200x128xf32, #tpu.memory_space<hbm>>
        %dma_wait3A_92 = tpu.memref_squeeze %dma_wait3A_91 : memref<1x200x128xf32, #tpu.memory_space<hbm>> -> memref<200x128xf32, #tpu.memory_space<hbm>>
        %dma_wait3A_93 = arith.constant 0 : i32
        %dma_wait3A_94 = arith.constant 0 : i32
        %dma_wait3A_95 = tpu.memref_slice %arg7[%arg0, %dma_wait3A_93, %dma_wait3A_94] : memref<2x160000x128xf32, #tpu.memory_space<hbm>> -> memref<1x200x128xf32, #tpu.memory_space<hbm>>
        %dma_wait3A_96 = tpu.memref_squeeze %dma_wait3A_95 : memref<1x200x128xf32, #tpu.memory_space<hbm>> -> memref<200x128xf32, #tpu.memory_space<hbm>>
        tpu.wait_dma2 semaphore(%arg17 : memref<!tpu.dma_semaphore, #tpu.memory_space<semaphore_mem>>) src(%dma_wait3A_96 : memref<200x128xf32, #tpu.memory_space<hbm>>) dst(%arg11 : memref<200x128xf32, #tpu.memory_space<vmem>>)
        %dma_wait3A_97 = arith.constant 0 : i32
        %dma_wait3A_98 = arith.constant 0 : i32
        %dma_wait3A_99 = tpu.memref_slice %arg7[%arg0, %dma_wait3A_97, %dma_wait3A_98] : memref<2x160000x128xf32, #tpu.memory_space<hbm>> -> memref<1x200x128xf32, #tpu.memory_space<hbm>>
        %dma_wait3A_100 = tpu.memref_squeeze %dma_wait3A_99 : memref<1x200x128xf32, #tpu.memory_space<hbm>> -> memref<200x128xf32, #tpu.memory_space<hbm>>
        %dma_wait3A_101 = arith.constant 0 : i32
        %dma_wait3A_102 = arith.constant 0 : i32
        %dma_wait3A_103 = tpu.memref_slice %arg7[%arg0, %dma_wait3A_101, %dma_wait3A_102] : memref<2x160000x128xf32, #tpu.memory_space<hbm>> -> memref<1x200x128xf32, #tpu.memory_space<hbm>>
        %dma_wait3A_104 = tpu.memref_squeeze %dma_wait3A_103 : memref<1x200x128xf32, #tpu.memory_space<hbm>> -> memref<200x128xf32, #tpu.memory_space<hbm>>
        tpu.wait_dma2 semaphore(%arg17 : memref<!tpu.dma_semaphore, #tpu.memory_space<semaphore_mem>>) src(%dma_wait3A_104 : memref<200x128xf32, #tpu.memory_space<hbm>>) dst(%arg11 : memref<200x128xf32, #tpu.memory_space<vmem>>)
      } else {
      }
      %dma_start3A = arith.constant 0 : i32
      %dma_start3A_28 = arith.constant 0 : i32
      %dma_start3A_29 = tpu.memref_slice %arg2[%arg0, %dma_start3A, %dma_start3A_28] : memref<2x10000x128xf32, #tpu.memory_space<hbm>> -> memref<1x10000x128xf32, #tpu.memory_space<hbm>>
      %dma_start3A_30 = tpu.memref_squeeze %dma_start3A_29 : memref<1x10000x128xf32, #tpu.memory_space<hbm>> -> memref<10000x128xf32, #tpu.memory_space<hbm>>
      %dma_start3A_31 = arith.constant 0 : i32
      %dma_start3A_32 = arith.constant 0 : i32
      %dma_start3A_33 = tpu.memref_slice %dma_start3A_30[%dma_start3A_31, %dma_start3A_32] : memref<10000x128xf32, #tpu.memory_space<hbm>> -> memref<10000x128xf32, #tpu.memory_space<hbm>>
      tpu.enqueue_indirect_dma source(%dma_start3A_33 : memref<10000x128xf32, #tpu.memory_space<hbm>>) target(%arg11 : memref<200x128xf32, #tpu.memory_space<vmem>>) offsets(%arg9 : memref<200xi32, #tpu.memory_space<vmem>>) semaphore(%arg14 : memref<!tpu.dma_semaphore, #tpu.memory_space<semaphore_mem>>)
      %dma_start3A_34 = arith.constant 0 : i32
      %dma_start3A_35 = arith.constant 0 : i32
      %dma_start3A_36 = tpu.memref_slice %arg3[%arg0, %dma_start3A_34, %dma_start3A_35] : memref<2x10000x128xf32, #tpu.memory_space<hbm>> -> memref<1x10000x128xf32, #tpu.memory_space<hbm>>
      %dma_start3A_37 = tpu.memref_squeeze %dma_start3A_36 : memref<1x10000x128xf32, #tpu.memory_space<hbm>> -> memref<10000x128xf32, #tpu.memory_space<hbm>>
      %dma_start3A_38 = arith.constant 0 : i32
      %dma_start3A_39 = arith.constant 0 : i32
      %dma_start3A_40 = tpu.memref_slice %dma_start3A_37[%dma_start3A_38, %dma_start3A_39] : memref<10000x128xf32, #tpu.memory_space<hbm>> -> memref<10000x128xf32, #tpu.memory_space<hbm>>
      tpu.enqueue_indirect_dma source(%dma_start3A_40 : memref<10000x128xf32, #tpu.memory_space<hbm>>) target(%arg12 : memref<200x128xf32, #tpu.memory_space<vmem>>) offsets(%arg10 : memref<200xi32, #tpu.memory_space<vmem>>) semaphore(%arg15 : memref<!tpu.dma_semaphore, #tpu.memory_space<semaphore_mem>>)
      %dma_start3A_41 = arith.constant 0 : i32
      %dma_start3A_42 = arith.constant 0 : i32
      %dma_start3A_43 = tpu.memref_slice %arg4[%arg0, %dma_start3A_41, %dma_start3A_42] : memref<2x10000x128xf32, #tpu.memory_space<hbm>> -> memref<1x10000x128xf32, #tpu.memory_space<hbm>>
      %dma_start3A_44 = tpu.memref_squeeze %dma_start3A_43 : memref<1x10000x128xf32, #tpu.memory_space<hbm>> -> memref<10000x128xf32, #tpu.memory_space<hbm>>
      %dma_start3A_45 = arith.constant 0 : i32
      %dma_start3A_46 = arith.constant 0 : i32
      %dma_start3A_47 = tpu.memref_slice %dma_start3A_44[%dma_start3A_45, %dma_start3A_46] : memref<10000x128xf32, #tpu.memory_space<hbm>> -> memref<10000x128xf32, #tpu.memory_space<hbm>>
      tpu.enqueue_indirect_dma source(%dma_start3A_47 : memref<10000x128xf32, #tpu.memory_space<hbm>>) target(%arg13 : memref<200x128xf32, #tpu.memory_space<vmem>>) offsets(%arg10 : memref<200xi32, #tpu.memory_space<vmem>>) semaphore(%arg16 : memref<!tpu.dma_semaphore, #tpu.memory_space<semaphore_mem>>)
      %dma_wait3A_48 = arith.constant 0 : i32
      %dma_wait3A_49 = arith.constant 0 : i32
      %dma_wait3A_50 = tpu.memref_slice %arg2[%arg0, %dma_wait3A_48, %dma_wait3A_49] : memref<2x10000x128xf32, #tpu.memory_space<hbm>> -> memref<1x10000x128xf32, #tpu.memory_space<hbm>>
      %dma_wait3A_51 = tpu.memref_squeeze %dma_wait3A_50 : memref<1x10000x128xf32, #tpu.memory_space<hbm>> -> memref<10000x128xf32, #tpu.memory_space<hbm>>
      %dma_wait3A_52 = arith.constant 0 : i32
      %dma_wait3A_53 = arith.constant 0 : i32
      %dma_wait3A_54 = tpu.memref_slice %dma_wait3A_51[%dma_wait3A_52, %dma_wait3A_53] : memref<10000x128xf32, #tpu.memory_space<hbm>> -> memref<10000x128xf32, #tpu.memory_space<hbm>>
      tpu.wait_indirect_dma semaphore(%arg14 : memref<!tpu.dma_semaphore, #tpu.memory_space<semaphore_mem>>) src(%dma_wait3A_54 : memref<10000x128xf32, #tpu.memory_space<hbm>>) dst(%arg11 : memref<200x128xf32, #tpu.memory_space<vmem>>)
      %dma_wait3A_55 = arith.constant 0 : i32
      %dma_wait3A_56 = arith.constant 0 : i32
      %dma_wait3A_57 = tpu.memref_slice %arg3[%arg0, %dma_wait3A_55, %dma_wait3A_56] : memref<2x10000x128xf32, #tpu.memory_space<hbm>> -> memref<1x10000x128xf32, #tpu.memory_space<hbm>>
      %dma_wait3A_58 = tpu.memref_squeeze %dma_wait3A_57 : memref<1x10000x128xf32, #tpu.memory_space<hbm>> -> memref<10000x128xf32, #tpu.memory_space<hbm>>
      %dma_wait3A_59 = arith.constant 0 : i32
      %dma_wait3A_60 = arith.constant 0 : i32
      %dma_wait3A_61 = tpu.memref_slice %dma_wait3A_58[%dma_wait3A_59, %dma_wait3A_60] : memref<10000x128xf32, #tpu.memory_space<hbm>> -> memref<10000x128xf32, #tpu.memory_space<hbm>>
      tpu.wait_indirect_dma semaphore(%arg15 : memref<!tpu.dma_semaphore, #tpu.memory_space<semaphore_mem>>) src(%dma_wait3A_61 : memref<10000x128xf32, #tpu.memory_space<hbm>>) dst(%arg12 : memref<200x128xf32, #tpu.memory_space<vmem>>)
      %scan3A_62 = arith.constant 0 : i32
      %scan3A_63 = arith.constant 0 : i32
      %scan3A_64 = arith.constant 50 : i32
      %scan3A_65 = arith.addi %scan3A_63, %scan3A_64 : i32
      %scan3A_66 = arith.constant 1 : i32
      %scan3A_67 = scf.for %scan3A_89 = %scan3A_63 to %scan3A_65 step %scan3A_66 iter_args(%scan3A_90 = %scan3A_62) -> (i32)  : i32 {
        %mul3A_91 = arith.constant 4 : i32
        %mul3A_92 = arith.muli %scan3A_89, %mul3A_91 : i32
        %add3A_93 = arith.constant 0 : i32
        %add3A_94 = arith.addi %mul3A_92, %add3A_93 : i32
        %get3A = arith.index_cast %add3A_94 : i32 to index
        %get3A_95 = arith.constant 0 : index
        %get3A_96 = tpu.vector_load %arg11[%get3A, %get3A_95] {strides = array<i32>} : memref<200x128xf32, #tpu.memory_space<vmem>>, vector<1x16xf32>,
        %get3A_97 = vector.shape_cast %get3A_96 : vector<1x16xf32> to vector<16xf32>
        %add3A_98 = arith.constant 0 : i32
        %add3A_99 = arith.addi %mul3A_92, %add3A_98 : i32
        %get3A_100 = arith.index_cast %add3A_99 : i32 to index
        %get3A_101 = arith.constant 0 : index
        %get3A_102 = tpu.vector_load %arg12[%get3A_100, %get3A_101] {strides = array<i32>} : memref<200x128xf32, #tpu.memory_space<vmem>>, vector<1x16xf32>,
        %get3A_103 = vector.shape_cast %get3A_102 : vector<1x16xf32> to vector<16xf32>
        %mul3A_104 = arith.mulf %get3A_97, %get3A_103 : vector<16xf32>
        %add3A_105 = arith.constant 0 : i32
        %add3A_106 = arith.addi %mul3A_92, %add3A_105 : i32
        %swap3A = arith.index_cast %add3A_106 : i32 to index
        %swap3A_107 = arith.constant 0 : index
        %swap3A_108 = tpu.vector_load %arg11[%swap3A, %swap3A_107] {strides = array<i32>} : memref<200x128xf32, #tpu.memory_space<vmem>>, vector<1x16xf32>,
        %swap3A_109 = vector.shape_cast %swap3A_108 : vector<1x16xf32> to vector<16xf32>
        %swap3A_110 = vector.shape_cast %mul3A_104 : vector<16xf32> to vector<1x16xf32>
        tpu.vector_store %arg11[%swap3A, %swap3A_107], %swap3A_110 {strides = array<i32>} : memref<200x128xf32, #tpu.memory_space<vmem>>, vector<1x16xf32>,
        %add3A_111 = arith.constant 0 : i32
        %add3A_112 = arith.addi %mul3A_92, %add3A_111 : i32
        %get3A_113 = arith.index_cast %add3A_112 : i32 to index
        %get3A_114 = arith.constant 16 : index
        %get3A_115 = tpu.vector_load %arg11[%get3A_113, %get3A_114] {strides = array<i32>} : memref<200x128xf32, #tpu.memory_space<vmem>>, vector<1x16xf32>,
        %get3A_116 = vector.shape_cast %get3A_115 : vector<1x16xf32> to vector<16xf32>
        %add3A_117 = arith.constant 0 : i32
        %add3A_118 = arith.addi %mul3A_92, %add3A_117 : i32
        %get3A_119 = arith.index_cast %add3A_118 : i32 to index
        %get3A_120 = arith.constant 16 : index
        %get3A_121 = tpu.vector_load %arg12[%get3A_119, %get3A_120] {strides = array<i32>} : memref<200x128xf32, #tpu.memory_space<vmem>>, vector<1x16xf32>,
        %get3A_122 = vector.shape_cast %get3A_121 : vector<1x16xf32> to vector<16xf32>
        %mul3A_123 = arith.mulf %get3A_116, %get3A_122 : vector<16xf32>
        %add3A_124 = arith.constant 0 : i32
        %add3A_125 = arith.addi %mul3A_92, %add3A_124 : i32
        %swap3A_126 = arith.index_cast %add3A_125 : i32 to index
        %swap3A_127 = arith.constant 16 : index
        %swap3A_128 = tpu.vector_load %arg11[%swap3A_126, %swap3A_127] {strides = array<i32>} : memref<200x128xf32, #tpu.memory_space<vmem>>, vector<1x16xf32>,
        %swap3A_129 = vector.shape_cast %swap3A_128 : vector<1x16xf32> to vector<16xf32>
        %swap3A_130 = vector.shape_cast %mul3A_123 : vector<16xf32> to vector<1x16xf32>
        tpu.vector_store %arg11[%swap3A_126, %swap3A_127], %swap3A_130 {strides = array<i32>} : memref<200x128xf32, #tpu.memory_space<vmem>>, vector<1x16xf32>,
        %add3A_131 = arith.constant 0 : i32
        %add3A_132 = arith.addi %mul3A_92, %add3A_131 : i32
        %get3A_133 = arith.index_cast %add3A_132 : i32 to index
        %get3A_134 = arith.constant 32 : index
        %get3A_135 = tpu.vector_load %arg11[%get3A_133, %get3A_134] {strides = array<i32>} : memref<200x128xf32, #tpu.memory_space<vmem>>, vector<1x16xf32>,
        %get3A_136 = vector.shape_cast %get3A_135 : vector<1x16xf32> to vector<16xf32>
        %add3A_137 = arith.constant 0 : i32
        %add3A_138 = arith.addi %mul3A_92, %add3A_137 : i32
        %get3A_139 = arith.index_cast %add3A_138 : i32 to index
        %get3A_140 = arith.constant 32 : index
        %get3A_141 = tpu.vector_load %arg12[%get3A_139, %get3A_140] {strides = array<i32>} : memref<200x128xf32, #tpu.memory_space<vmem>>, vector<1x16xf32>,
        %get3A_142 = vector.shape_cast %get3A_141 : vector<1x16xf32> to vector<16xf32>
        %mul3A_143 = arith.mulf %get3A_136, %get3A_142 : vector<16xf32>
        %add3A_144 = arith.constant 0 : i32
        %add3A_145 = arith.addi %mul3A_92, %add3A_144 : i32
        %swap3A_146 = arith.index_cast %add3A_145 : i32 to index
        %swap3A_147 = arith.constant 32 : index
        %swap3A_148 = tpu.vector_load %arg11[%swap3A_146, %swap3A_147] {strides = array<i32>} : memref<200x128xf32, #tpu.memory_space<vmem>>, vector<1x16xf32>,
        %swap3A_149 = vector.shape_cast %swap3A_148 : vector<1x16xf32> to vector<16xf32>
        %swap3A_150 = vector.shape_cast %mul3A_143 : vector<16xf32> to vector<1x16xf32>
        tpu.vector_store %arg11[%swap3A_146, %swap3A_147], %swap3A_150 {strides = array<i32>} : memref<200x128xf32, #tpu.memory_space<vmem>>, vector<1x16xf32>,
        %add3A_151 = arith.constant 0 : i32
        %add3A_152 = arith.addi %mul3A_92, %add3A_151 : i32
        %get3A_153 = arith.index_cast %add3A_152 : i32 to index
        %get3A_154 = arith.constant 48 : index
        %get3A_155 = tpu.vector_load %arg11[%get3A_153, %get3A_154] {strides = array<i32>} : memref<200x128xf32, #tpu.memory_space<vmem>>, vector<1x16xf32>,
        %get3A_156 = vector.shape_cast %get3A_155 : vector<1x16xf32> to vector<16xf32>
        %add3A_157 = arith.constant 0 : i32
        %add3A_158 = arith.addi %mul3A_92, %add3A_157 : i32
        %get3A_159 = arith.index_cast %add3A_158 : i32 to index
        %get3A_160 = arith.constant 48 : index
        %get3A_161 = tpu.vector_load %arg12[%get3A_159, %get3A_160] {strides = array<i32>} : memref<200x128xf32, #tpu.memory_space<vmem>>, vector<1x16xf32>,
        %get3A_162 = vector.shape_cast %get3A_161 : vector<1x16xf32> to vector<16xf32>
        %mul3A_163 = arith.mulf %get3A_156, %get3A_162 : vector<16xf32>
        %add3A_164 = arith.constant 0 : i32
        %add3A_165 = arith.addi %mul3A_92, %add3A_164 : i32
        %swap3A_166 = arith.index_cast %add3A_165 : i32 to index
        %swap3A_167 = arith.constant 48 : index
        %swap3A_168 = tpu.vector_load %arg11[%swap3A_166, %swap3A_167] {strides = array<i32>} : memref<200x128xf32, #tpu.memory_space<vmem>>, vector<1x16xf32>,
        %swap3A_169 = vector.shape_cast %swap3A_168 : vector<1x16xf32> to vector<16xf32>
        %swap3A_170 = vector.shape_cast %mul3A_163 : vector<16xf32> to vector<1x16xf32>
        tpu.vector_store %arg11[%swap3A_166, %swap3A_167], %swap3A_170 {strides = array<i32>} : memref<200x128xf32, #tpu.memory_space<vmem>>, vector<1x16xf32>,
        %add3A_171 = arith.constant 0 : i32
        %add3A_172 = arith.addi %mul3A_92, %add3A_171 : i32
        %get3A_173 = arith.index_cast %add3A_172 : i32 to index
        %get3A_174 = arith.constant 64 : index
        %get3A_175 = tpu.vector_load %arg11[%get3A_173, %get3A_174] {strides = array<i32>} : memref<200x128xf32, #tpu.memory_space<vmem>>, vector<1x16xf32>,
        %get3A_176 = vector.shape_cast %get3A_175 : vector<1x16xf32> to vector<16xf32>
        %add3A_177 = arith.constant 0 : i32
        %add3A_178 = arith.addi %mul3A_92, %add3A_177 : i32
        %get3A_179 = arith.index_cast %add3A_178 : i32 to index
        %get3A_180 = arith.constant 64 : index
        %get3A_181 = tpu.vector_load %arg12[%get3A_179, %get3A_180] {strides = array<i32>} : memref<200x128xf32, #tpu.memory_space<vmem>>, vector<1x16xf32>,
        %get3A_182 = vector.shape_cast %get3A_181 : vector<1x16xf32> to vector<16xf32>
        %mul3A_183 = arith.mulf %get3A_176, %get3A_182 : vector<16xf32>
        %add3A_184 = arith.constant 0 : i32
        %add3A_185 = arith.addi %mul3A_92, %add3A_184 : i32
        %swap3A_186 = arith.index_cast %add3A_185 : i32 to index
        %swap3A_187 = arith.constant 64 : index
        %swap3A_188 = tpu.vector_load %arg11[%swap3A_186, %swap3A_187] {strides = array<i32>} : memref<200x128xf32, #tpu.memory_space<vmem>>, vector<1x16xf32>,
        %swap3A_189 = vector.shape_cast %swap3A_188 : vector<1x16xf32> to vector<16xf32>
        %swap3A_190 = vector.shape_cast %mul3A_183 : vector<16xf32> to vector<1x16xf32>
        tpu.vector_store %arg11[%swap3A_186, %swap3A_187], %swap3A_190 {strides = array<i32>} : memref<200x128xf32, #tpu.memory_space<vmem>>, vector<1x16xf32>,
        %add3A_191 = arith.constant 0 : i32
        %add3A_192 = arith.addi %mul3A_92, %add3A_191 : i32
        %get3A_193 = arith.index_cast %add3A_192 : i32 to index
        %get3A_194 = arith.constant 80 : index
        %get3A_195 = tpu.vector_load %arg11[%get3A_193, %get3A_194] {strides = array<i32>} : memref<200x128xf32, #tpu.memory_space<vmem>>, vector<1x16xf32>,
        %get3A_196 = vector.shape_cast %get3A_195 : vector<1x16xf32> to vector<16xf32>
        %add3A_197 = arith.constant 0 : i32
        %add3A_198 = arith.addi %mul3A_92, %add3A_197 : i32
        %get3A_199 = arith.index_cast %add3A_198 : i32 to index
        %get3A_200 = arith.constant 80 : index
        %get3A_201 = tpu.vector_load %arg12[%get3A_199, %get3A_200] {strides = array<i32>} : memref<200x128xf32, #tpu.memory_space<vmem>>, vector<1x16xf32>,
        %get3A_202 = vector.shape_cast %get3A_201 : vector<1x16xf32> to vector<16xf32>
        %mul3A_203 = arith.mulf %get3A_196, %get3A_202 : vector<16xf32>
        %add3A_204 = arith.constant 0 : i32
        %add3A_205 = arith.addi %mul3A_92, %add3A_204 : i32
        %swap3A_206 = arith.index_cast %add3A_205 : i32 to index
        %swap3A_207 = arith.constant 80 : index
        %swap3A_208 = tpu.vector_load %arg11[%swap3A_206, %swap3A_207] {strides = array<i32>} : memref<200x128xf32, #tpu.memory_space<vmem>>, vector<1x16xf32>,
        %swap3A_209 = vector.shape_cast %swap3A_208 : vector<1x16xf32> to vector<16xf32>
        %swap3A_210 = vector.shape_cast %mul3A_203 : vector<16xf32> to vector<1x16xf32>
        tpu.vector_store %arg11[%swap3A_206, %swap3A_207], %swap3A_210 {strides = array<i32>} : memref<200x128xf32, #tpu.memory_space<vmem>>, vector<1x16xf32>,
        %add3A_211 = arith.constant 0 : i32
        %add3A_212 = arith.addi %mul3A_92, %add3A_211 : i32
        %get3A_213 = arith.index_cast %add3A_212 : i32 to index
        %get3A_214 = arith.constant 96 : index
        %get3A_215 = tpu.vector_load %arg11[%get3A_213, %get3A_214] {strides = array<i32>} : memref<200x128xf32, #tpu.memory_space<vmem>>, vector<1x16xf32>,
        %get3A_216 = vector.shape_cast %get3A_215 : vector<1x16xf32> to vector<16xf32>
        %add3A_217 = arith.constant 0 : i32
        %add3A_218 = arith.addi %mul3A_92, %add3A_217 : i32
        %get3A_219 = arith.index_cast %add3A_218 : i32 to index
        %get3A_220 = arith.constant 96 : index
        %get3A_221 = tpu.vector_load %arg12[%get3A_219, %get3A_220] {strides = array<i32>} : memref<200x128xf32, #tpu.memory_space<vmem>>, vector<1x16xf32>,
        %get3A_222 = vector.shape_cast %get3A_221 : vector<1x16xf32> to vector<16xf32>
        %mul3A_223 = arith.mulf %get3A_216, %get3A_222 : vector<16xf32>
        %add3A_224 = arith.constant 0 : i32
        %add3A_225 = arith.addi %mul3A_92, %add3A_224 : i32
        %swap3A_226 = arith.index_cast %add3A_225 : i32 to index
        %swap3A_227 = arith.constant 96 : index
        %swap3A_228 = tpu.vector_load %arg11[%swap3A_226, %swap3A_227] {strides = array<i32>} : memref<200x128xf32, #tpu.memory_space<vmem>>, vector<1x16xf32>,
        %swap3A_229 = vector.shape_cast %swap3A_228 : vector<1x16xf32> to vector<16xf32>
        %swap3A_230 = vector.shape_cast %mul3A_223 : vector<16xf32> to vector<1x16xf32>
        tpu.vector_store %arg11[%swap3A_226, %swap3A_227], %swap3A_230 {strides = array<i32>} : memref<200x128xf32, #tpu.memory_space<vmem>>, vector<1x16xf32>,
        %add3A_231 = arith.constant 0 : i32
        %add3A_232 = arith.addi %mul3A_92, %add3A_231 : i32
        %get3A_233 = arith.index_cast %add3A_232 : i32 to index
        %get3A_234 = arith.constant 112 : index
        %get3A_235 = tpu.vector_load %arg11[%get3A_233, %get3A_234] {strides = array<i32>} : memref<200x128xf32, #tpu.memory_space<vmem>>, vector<1x16xf32>,
        %get3A_236 = vector.shape_cast %get3A_235 : vector<1x16xf32> to vector<16xf32>
        %add3A_237 = arith.constant 0 : i32
        %add3A_238 = arith.addi %mul3A_92, %add3A_237 : i32
        %get3A_239 = arith.index_cast %add3A_238 : i32 to index
        %get3A_240 = arith.constant 112 : index
        %get3A_241 = tpu.vector_load %arg12[%get3A_239, %get3A_240] {strides = array<i32>} : memref<200x128xf32, #tpu.memory_space<vmem>>, vector<1x16xf32>,
        %get3A_242 = vector.shape_cast %get3A_241 : vector<1x16xf32> to vector<16xf32>
        %mul3A_243 = arith.mulf %get3A_236, %get3A_242 : vector<16xf32>
        %add3A_244 = arith.constant 0 : i32
        %add3A_245 = arith.addi %mul3A_92, %add3A_244 : i32
        %swap3A_246 = arith.index_cast %add3A_245 : i32 to index
        %swap3A_247 = arith.constant 112 : index
        %swap3A_248 = tpu.vector_load %arg11[%swap3A_246, %swap3A_247] {strides = array<i32>} : memref<200x128xf32, #tpu.memory_space<vmem>>, vector<1x16xf32>,
        %swap3A_249 = vector.shape_cast %swap3A_248 : vector<1x16xf32> to vector<16xf32>
        %swap3A_250 = vector.shape_cast %mul3A_243 : vector<16xf32> to vector<1x16xf32>
        tpu.vector_store %arg11[%swap3A_246, %swap3A_247], %swap3A_250 {strides = array<i32>} : memref<200x128xf32, #tpu.memory_space<vmem>>, vector<1x16xf32>,
        %add3A_251 = arith.constant 1 : i32
        %add3A_252 = arith.addi %mul3A_92, %add3A_251 : i32
        %get3A_253 = arith.index_cast %add3A_252 : i32 to index
        %get3A_254 = arith.constant 0 : index
        %get3A_255 = tpu.vector_load %arg11[%get3A_253, %get3A_254] {strides = array<i32>} : memref<200x128xf32, #tpu.memory_space<vmem>>, vector<1x16xf32>,
        %get3A_256 = vector.shape_cast %get3A_255 : vector<1x16xf32> to vector<16xf32>
        %add3A_257 = arith.constant 1 : i32
        %add3A_258 = arith.addi %mul3A_92, %add3A_257 : i32
        %get3A_259 = arith.index_cast %add3A_258 : i32 to index
        %get3A_260 = arith.constant 0 : index
        %get3A_261 = tpu.vector_load %arg12[%get3A_259, %get3A_260] {strides = array<i32>} : memref<200x128xf32, #tpu.memory_space<vmem>>, vector<1x16xf32>,
        %get3A_262 = vector.shape_cast %get3A_261 : vector<1x16xf32> to vector<16xf32>
        %mul3A_263 = arith.mulf %get3A_256, %get3A_262 : vector<16xf32>
        %add3A_264 = arith.constant 1 : i32
        %add3A_265 = arith.addi %mul3A_92, %add3A_264 : i32
        %swap3A_266 = arith.index_cast %add3A_265 : i32 to index
        %swap3A_267 = arith.constant 0 : index
        %swap3A_268 = tpu.vector_load %arg11[%swap3A_266, %swap3A_267] {strides = array<i32>} : memref<200x128xf32, #tpu.memory_space<vmem>>, vector<1x16xf32>,
        %swap3A_269 = vector.shape_cast %swap3A_268 : vector<1x16xf32> to vector<16xf32>
        %swap3A_270 = vector.shape_cast %mul3A_263 : vector<16xf32> to vector<1x16xf32>
        tpu.vector_store %arg11[%swap3A_266, %swap3A_267], %swap3A_270 {strides = array<i32>} : memref<200x128xf32, #tpu.memory_space<vmem>>, vector<1x16xf32>,
        %add3A_271 = arith.constant 1 : i32
        %add3A_272 = arith.addi %mul3A_92, %add3A_271 : i32
        %get3A_273 = arith.index_cast %add3A_272 : i32 to index
        %get3A_274 = arith.constant 16 : index
        %get3A_275 = tpu.vector_load %arg11[%get3A_273, %get3A_274] {strides = array<i32>} : memref<200x128xf32, #tpu.memory_space<vmem>>, vector<1x16xf32>,
        %get3A_276 = vector.shape_cast %get3A_275 : vector<1x16xf32> to vector<16xf32>
        %add3A_277 = arith.constant 1 : i32
        %add3A_278 = arith.addi %mul3A_92, %add3A_277 : i32
        %get3A_279 = arith.index_cast %add3A_278 : i32 to index
        %get3A_280 = arith.constant 16 : index
        %get3A_281 = tpu.vector_load %arg12[%get3A_279, %get3A_280] {strides = array<i32>} : memref<200x128xf32, #tpu.memory_space<vmem>>, vector<1x16xf32>,
        %get3A_282 = vector.shape_cast %get3A_281 : vector<1x16xf32> to vector<16xf32>
        %mul3A_283 = arith.mulf %get3A_276, %get3A_282 : vector<16xf32>
        %add3A_284 = arith.constant 1 : i32
        %add3A_285 = arith.addi %mul3A_92, %add3A_284 : i32
        %swap3A_286 = arith.index_cast %add3A_285 : i32 to index
        %swap3A_287 = arith.constant 16 : index
        %swap3A_288 = tpu.vector_load %arg11[%swap3A_286, %swap3A_287] {strides = array<i32>} : memref<200x128xf32, #tpu.memory_space<vmem>>, vector<1x16xf32>,
        %swap3A_289 = vector.shape_cast %swap3A_288 : vector<1x16xf32> to vector<16xf32>
        %swap3A_290 = vector.shape_cast %mul3A_283 : vector<16xf32> to vector<1x16xf32>
        tpu.vector_store %arg11[%swap3A_286, %swap3A_287], %swap3A_290 {strides = array<i32>} : memref<200x128xf32, #tpu.memory_space<vmem>>, vector<1x16xf32>,
        %add3A_291 = arith.constant 1 : i32
        %add3A_292 = arith.addi %mul3A_92, %add3A_291 : i32
        %get3A_293 = arith.index_cast %add3A_292 : i32 to index
        %get3A_294 = arith.constant 32 : index
        %get3A_295 = tpu.vector_load %arg11[%get3A_293, %get3A_294] {strides = array<i32>} : memref<200x128xf32, #tpu.memory_space<vmem>>, vector<1x16xf32>,
        %get3A_296 = vector.shape_cast %get3A_295 : vector<1x16xf32> to vector<16xf32>
        %add3A_297 = arith.constant 1 : i32
        %add3A_298 = arith.addi %mul3A_92, %add3A_297 : i32
        %get3A_299 = arith.index_cast %add3A_298 : i32 to index
        %get3A_300 = arith.constant 32 : index
        %get3A_301 = tpu.vector_load %arg12[%get3A_299, %get3A_300] {strides = array<i32>} : memref<200x128xf32, #tpu.memory_space<vmem>>, vector<1x16xf32>,
        %get3A_302 = vector.shape_cast %get3A_301 : vector<1x16xf32> to vector<16xf32>
        %mul3A_303 = arith.mulf %get3A_296, %get3A_302 : vector<16xf32>
        %add3A_304 = arith.constant 1 : i32
        %add3A_305 = arith.addi %mul3A_92, %add3A_304 : i32
        %swap3A_306 = arith.index_cast %add3A_305 : i32 to index
        %swap3A_307 = arith.constant 32 : index
        %swap3A_308 = tpu.vector_load %arg11[%swap3A_306, %swap3A_307] {strides = array<i32>} : memref<200x128xf32, #tpu.memory_space<vmem>>, vector<1x16xf32>,
        %swap3A_309 = vector.shape_cast %swap3A_308 : vector<1x16xf32> to vector<16xf32>
        %swap3A_310 = vector.shape_cast %mul3A_303 : vector<16xf32> to vector<1x16xf32>
        tpu.vector_store %arg11[%swap3A_306, %swap3A_307], %swap3A_310 {strides = array<i32>} : memref<200x128xf32, #tpu.memory_space<vmem>>, vector<1x16xf32>,
        %add3A_311 = arith.constant 1 : i32
        %add3A_312 = arith.addi %mul3A_92, %add3A_311 : i32
        %get3A_313 = arith.index_cast %add3A_312 : i32 to index
        %get3A_314 = arith.constant 48 : index
        %get3A_315 = tpu.vector_load %arg11[%get3A_313, %get3A_314] {strides = array<i32>} : memref<200x128xf32, #tpu.memory_space<vmem>>, vector<1x16xf32>,
        %get3A_316 = vector.shape_cast %get3A_315 : vector<1x16xf32> to vector<16xf32>
        %add3A_317 = arith.constant 1 : i32
        %add3A_318 = arith.addi %mul3A_92, %add3A_317 : i32
        %get3A_319 = arith.index_cast %add3A_318 : i32 to index
        %get3A_320 = arith.constant 48 : index
        %get3A_321 = tpu.vector_load %arg12[%get3A_319, %get3A_320] {strides = array<i32>} : memref<200x128xf32, #tpu.memory_space<vmem>>, vector<1x16xf32>,
        %get3A_322 = vector.shape_cast %get3A_321 : vector<1x16xf32> to vector<16xf32>
        %mul3A_323 = arith.mulf %get3A_316, %get3A_322 : vector<16xf32>
        %add3A_324 = arith.constant 1 : i32
        %add3A_325 = arith.addi %mul3A_92, %add3A_324 : i32
        %swap3A_326 = arith.index_cast %add3A_325 : i32 to index
        %swap3A_327 = arith.constant 48 : index
        %swap3A_328 = tpu.vector_load %arg11[%swap3A_326, %swap3A_327] {strides = array<i32>} : memref<200x128xf32, #tpu.memory_space<vmem>>, vector<1x16xf32>,
        %swap3A_329 = vector.shape_cast %swap3A_328 : vector<1x16xf32> to vector<16xf32>
        %swap3A_330 = vector.shape_cast %mul3A_323 : vector<16xf32> to vector<1x16xf32>
        tpu.vector_store %arg11[%swap3A_326, %swap3A_327], %swap3A_330 {strides = array<i32>} : memref<200x128xf32, #tpu.memory_space<vmem>>, vector<1x16xf32>,
        %add3A_331 = arith.constant 1 : i32
        %add3A_332 = arith.addi %mul3A_92, %add3A_331 : i32
        %get3A_333 = arith.index_cast %add3A_332 : i32 to index
        %get3A_334 = arith.constant 64 : index
        %get3A_335 = tpu.vector_load %arg11[%get3A_333, %get3A_334] {strides = array<i32>} : memref<200x128xf32, #tpu.memory_space<vmem>>, vector<1x16xf32>,
        %get3A_336 = vector.shape_cast %get3A_335 : vector<1x16xf32> to vector<16xf32>
        %add3A_337 = arith.constant 1 : i32
        %add3A_338 = arith.addi %mul3A_92, %add3A_337 : i32
        %get3A_339 = arith.index_cast %add3A_338 : i32 to index
        %get3A_340 = arith.constant 64 : index
        %get3A_341 = tpu.vector_load %arg12[%get3A_339, %get3A_340] {strides = array<i32>} : memref<200x128xf32, #tpu.memory_space<vmem>>, vector<1x16xf32>,
        %get3A_342 = vector.shape_cast %get3A_341 : vector<1x16xf32> to vector<16xf32>
        %mul3A_343 = arith.mulf %get3A_336, %get3A_342 : vector<16xf32>
        %add3A_344 = arith.constant 1 : i32
        %add3A_345 = arith.addi %mul3A_92, %add3A_344 : i32
        %swap3A_346 = arith.index_cast %add3A_345 : i32 to index
        %swap3A_347 = arith.constant 64 : index
        %swap3A_348 = tpu.vector_load %arg11[%swap3A_346, %swap3A_347] {strides = array<i32>} : memref<200x128xf32, #tpu.memory_space<vmem>>, vector<1x16xf32>,
        %swap3A_349 = vector.shape_cast %swap3A_348 : vector<1x16xf32> to vector<16xf32>
        %swap3A_350 = vector.shape_cast %mul3A_343 : vector<16xf32> to vector<1x16xf32>
        tpu.vector_store %arg11[%swap3A_346, %swap3A_347], %swap3A_350 {strides = array<i32>} : memref<200x128xf32, #tpu.memory_space<vmem>>, vector<1x16xf32>,
        %add3A_351 = arith.constant 1 : i32
        %add3A_352 = arith.addi %mul3A_92, %add3A_351 : i32
        %get3A_353 = arith.index_cast %add3A_352 : i32 to index
        %get3A_354 = arith.constant 80 : index
        %get3A_355 = tpu.vector_load %arg11[%get3A_353, %get3A_354] {strides = array<i32>} : memref<200x128xf32, #tpu.memory_space<vmem>>, vector<1x16xf32>,
        %get3A_356 = vector.shape_cast %get3A_355 : vector<1x16xf32> to vector<16xf32>
        %add3A_357 = arith.constant 1 : i32
        %add3A_358 = arith.addi %mul3A_92, %add3A_357 : i32
        %get3A_359 = arith.index_cast %add3A_358 : i32 to index
        %get3A_360 = arith.constant 80 : index
        %get3A_361 = tpu.vector_load %arg12[%get3A_359, %get3A_360] {strides = array<i32>} : memref<200x128xf32, #tpu.memory_space<vmem>>, vector<1x16xf32>,
        %get3A_362 = vector.shape_cast %get3A_361 : vector<1x16xf32> to vector<16xf32>
        %mul3A_363 = arith.mulf %get3A_356, %get3A_362 : vector<16xf32>
        %add3A_364 = arith.constant 1 : i32
        %add3A_365 = arith.addi %mul3A_92, %add3A_364 : i32
        %swap3A_366 = arith.index_cast %add3A_365 : i32 to index
        %swap3A_367 = arith.constant 80 : index
        %swap3A_368 = tpu.vector_load %arg11[%swap3A_366, %swap3A_367] {strides = array<i32>} : memref<200x128xf32, #tpu.memory_space<vmem>>, vector<1x16xf32>,
        %swap3A_369 = vector.shape_cast %swap3A_368 : vector<1x16xf32> to vector<16xf32>
        %swap3A_370 = vector.shape_cast %mul3A_363 : vector<16xf32> to vector<1x16xf32>
        tpu.vector_store %arg11[%swap3A_366, %swap3A_367], %swap3A_370 {strides = array<i32>} : memref<200x128xf32, #tpu.memory_space<vmem>>, vector<1x16xf32>,
        %add3A_371 = arith.constant 1 : i32
        %add3A_372 = arith.addi %mul3A_92, %add3A_371 : i32
        %get3A_373 = arith.index_cast %add3A_372 : i32 to index
        %get3A_374 = arith.constant 96 : index
        %get3A_375 = tpu.vector_load %arg11[%get3A_373, %get3A_374] {strides = array<i32>} : memref<200x128xf32, #tpu.memory_space<vmem>>, vector<1x16xf32>,
        %get3A_376 = vector.shape_cast %get3A_375 : vector<1x16xf32> to vector<16xf32>
        %add3A_377 = arith.constant 1 : i32
        %add3A_378 = arith.addi %mul3A_92, %add3A_377 : i32
        %get3A_379 = arith.index_cast %add3A_378 : i32 to index
        %get3A_380 = arith.constant 96 : index
        %get3A_381 = tpu.vector_load %arg12[%get3A_379, %get3A_380] {strides = array<i32>} : memref<200x128xf32, #tpu.memory_space<vmem>>, vector<1x16xf32>,
        %get3A_382 = vector.shape_cast %get3A_381 : vector<1x16xf32> to vector<16xf32>
        %mul3A_383 = arith.mulf %get3A_376, %get3A_382 : vector<16xf32>
        %add3A_384 = arith.constant 1 : i32
        %add3A_385 = arith.addi %mul3A_92, %add3A_384 : i32
        %swap3A_386 = arith.index_cast %add3A_385 : i32 to index
        %swap3A_387 = arith.constant 96 : index
        %swap3A_388 = tpu.vector_load %arg11[%swap3A_386, %swap3A_387] {strides = array<i32>} : memref<200x128xf32, #tpu.memory_space<vmem>>, vector<1x16xf32>,
        %swap3A_389 = vector.shape_cast %swap3A_388 : vector<1x16xf32> to vector<16xf32>
        %swap3A_390 = vector.shape_cast %mul3A_383 : vector<16xf32> to vector<1x16xf32>
        tpu.vector_store %arg11[%swap3A_386, %swap3A_387], %swap3A_390 {strides = array<i32>} : memref<200x128xf32, #tpu.memory_space<vmem>>, vector<1x16xf32>,
        %add3A_391 = arith.constant 1 : i32
        %add3A_392 = arith.addi %mul3A_92, %add3A_391 : i32
        %get3A_393 = arith.index_cast %add3A_392 : i32 to index
        %get3A_394 = arith.constant 112 : index
        %get3A_395 = tpu.vector_load %arg11[%get3A_393, %get3A_394] {strides = array<i32>} : memref<200x128xf32, #tpu.memory_space<vmem>>, vector<1x16xf32>,
        %get3A_396 = vector.shape_cast %get3A_395 : vector<1x16xf32> to vector<16xf32>
        %add3A_397 = arith.constant 1 : i32
        %add3A_398 = arith.addi %mul3A_92, %add3A_397 : i32
        %get3A_399 = arith.index_cast %add3A_398 : i32 to index
        %get3A_400 = arith.constant 112 : index
        %get3A_401 = tpu.vector_load %arg12[%get3A_399, %get3A_400] {strides = array<i32>} : memref<200x128xf32, #tpu.memory_space<vmem>>, vector<1x16xf32>,
        %get3A_402 = vector.shape_cast %get3A_401 : vector<1x16xf32> to vector<16xf32>
        %mul3A_403 = arith.mulf %get3A_396, %get3A_402 : vector<16xf32>
        %add3A_404 = arith.constant 1 : i32
        %add3A_405 = arith.addi %mul3A_92, %add3A_404 : i32
        %swap3A_406 = arith.index_cast %add3A_405 : i32 to index
        %swap3A_407 = arith.constant 112 : index
        %swap3A_408 = tpu.vector_load %arg11[%swap3A_406, %swap3A_407] {strides = array<i32>} : memref<200x128xf32, #tpu.memory_space<vmem>>, vector<1x16xf32>,
        %swap3A_409 = vector.shape_cast %swap3A_408 : vector<1x16xf32> to vector<16xf32>
        %swap3A_410 = vector.shape_cast %mul3A_403 : vector<16xf32> to vector<1x16xf32>
        tpu.vector_store %arg11[%swap3A_406, %swap3A_407], %swap3A_410 {strides = array<i32>} : memref<200x128xf32, #tpu.memory_space<vmem>>, vector<1x16xf32>,
        %add3A_411 = arith.constant 2 : i32
        %add3A_412 = arith.addi %mul3A_92, %add3A_411 : i32
        %get3A_413 = arith.index_cast %add3A_412 : i32 to index
        %get3A_414 = arith.constant 0 : index
        %get3A_415 = tpu.vector_load %arg11[%get3A_413, %get3A_414] {strides = array<i32>} : memref<200x128xf32, #tpu.memory_space<vmem>>, vector<1x16xf32>,
        %get3A_416 = vector.shape_cast %get3A_415 : vector<1x16xf32> to vector<16xf32>
        %add3A_417 = arith.constant 2 : i32
        %add3A_418 = arith.addi %mul3A_92, %add3A_417 : i32
        %get3A_419 = arith.index_cast %add3A_418 : i32 to index
        %get3A_420 = arith.constant 0 : index
        %get3A_421 = tpu.vector_load %arg12[%get3A_419, %get3A_420] {strides = array<i32>} : memref<200x128xf32, #tpu.memory_space<vmem>>, vector<1x16xf32>,
        %get3A_422 = vector.shape_cast %get3A_421 : vector<1x16xf32> to vector<16xf32>
        %mul3A_423 = arith.mulf %get3A_416, %get3A_422 : vector<16xf32>
        %add3A_424 = arith.constant 2 : i32
        %add3A_425 = arith.addi %mul3A_92, %add3A_424 : i32
        %swap3A_426 = arith.index_cast %add3A_425 : i32 to index
        %swap3A_427 = arith.constant 0 : index
        %swap3A_428 = tpu.vector_load %arg11[%swap3A_426, %swap3A_427] {strides = array<i32>} : memref<200x128xf32, #tpu.memory_space<vmem>>, vector<1x16xf32>,
        %swap3A_429 = vector.shape_cast %swap3A_428 : vector<1x16xf32> to vector<16xf32>
        %swap3A_430 = vector.shape_cast %mul3A_423 : vector<16xf32> to vector<1x16xf32>
        tpu.vector_store %arg11[%swap3A_426, %swap3A_427], %swap3A_430 {strides = array<i32>} : memref<200x128xf32, #tpu.memory_space<vmem>>, vector<1x16xf32>,
        %add3A_431 = arith.constant 2 : i32
        %add3A_432 = arith.addi %mul3A_92, %add3A_431 : i32
        %get3A_433 = arith.index_cast %add3A_432 : i32 to index
        %get3A_434 = arith.constant 16 : index
        %get3A_435 = tpu.vector_load %arg11[%get3A_433, %get3A_434] {strides = array<i32>} : memref<200x128xf32, #tpu.memory_space<vmem>>, vector<1x16xf32>,
        %get3A_436 = vector.shape_cast %get3A_435 : vector<1x16xf32> to vector<16xf32>
        %add3A_437 = arith.constant 2 : i32
        %add3A_438 = arith.addi %mul3A_92, %add3A_437 : i32
        %get3A_439 = arith.index_cast %add3A_438 : i32 to index
        %get3A_440 = arith.constant 16 : index
        %get3A_441 = tpu.vector_load %arg12[%get3A_439, %get3A_440] {strides = array<i32>} : memref<200x128xf32, #tpu.memory_space<vmem>>, vector<1x16xf32>,
        %get3A_442 = vector.shape_cast %get3A_441 : vector<1x16xf32> to vector<16xf32>
        %mul3A_443 = arith.mulf %get3A_436, %get3A_442 : vector<16xf32>
        %add3A_444 = arith.constant 2 : i32
        %add3A_445 = arith.addi %mul3A_92, %add3A_444 : i32
        %swap3A_446 = arith.index_cast %add3A_445 : i32 to index
        %swap3A_447 = arith.constant 16 : index
        %swap3A_448 = tpu.vector_load %arg11[%swap3A_446, %swap3A_447] {strides = array<i32>} : memref<200x128xf32, #tpu.memory_space<vmem>>, vector<1x16xf32>,
        %swap3A_449 = vector.shape_cast %swap3A_448 : vector<1x16xf32> to vector<16xf32>
        %swap3A_450 = vector.shape_cast %mul3A_443 : vector<16xf32> to vector<1x16xf32>
        tpu.vector_store %arg11[%swap3A_446, %swap3A_447], %swap3A_450 {strides = array<i32>} : memref<200x128xf32, #tpu.memory_space<vmem>>, vector<1x16xf32>,
        %add3A_451 = arith.constant 2 : i32
        %add3A_452 = arith.addi %mul3A_92, %add3A_451 : i32
        %get3A_453 = arith.index_cast %add3A_452 : i32 to index
        %get3A_454 = arith.constant 32 : index
        %get3A_455 = tpu.vector_load %arg11[%get3A_453, %get3A_454] {strides = array<i32>} : memref<200x128xf32, #tpu.memory_space<vmem>>, vector<1x16xf32>,
        %get3A_456 = vector.shape_cast %get3A_455 : vector<1x16xf32> to vector<16xf32>
        %add3A_457 = arith.constant 2 : i32
        %add3A_458 = arith.addi %mul3A_92, %add3A_457 : i32
        %get3A_459 = arith.index_cast %add3A_458 : i32 to index
        %get3A_460 = arith.constant 32 : index
        %get3A_461 = tpu.vector_load %arg12[%get3A_459, %get3A_460] {strides = array<i32>} : memref<200x128xf32, #tpu.memory_space<vmem>>, vector<1x16xf32>,
        %get3A_462 = vector.shape_cast %get3A_461 : vector<1x16xf32> to vector<16xf32>
        %mul3A_463 = arith.mulf %get3A_456, %get3A_462 : vector<16xf32>
        %add3A_464 = arith.constant 2 : i32
        %add3A_465 = arith.addi %mul3A_92, %add3A_464 : i32
        %swap3A_466 = arith.index_cast %add3A_465 : i32 to index
        %swap3A_467 = arith.constant 32 : index
        %swap3A_468 = tpu.vector_load %arg11[%swap3A_466, %swap3A_467] {strides = array<i32>} : memref<200x128xf32, #tpu.memory_space<vmem>>, vector<1x16xf32>,
        %swap3A_469 = vector.shape_cast %swap3A_468 : vector<1x16xf32> to vector<16xf32>
        %swap3A_470 = vector.shape_cast %mul3A_463 : vector<16xf32> to vector<1x16xf32>
        tpu.vector_store %arg11[%swap3A_466, %swap3A_467], %swap3A_470 {strides = array<i32>} : memref<200x128xf32, #tpu.memory_space<vmem>>, vector<1x16xf32>,
        %add3A_471 = arith.constant 2 : i32
        %add3A_472 = arith.addi %mul3A_92, %add3A_471 : i32
        %get3A_473 = arith.index_cast %add3A_472 : i32 to index
        %get3A_474 = arith.constant 48 : index
        %get3A_475 = tpu.vector_load %arg11[%get3A_473, %get3A_474] {strides = array<i32>} : memref<200x128xf32, #tpu.memory_space<vmem>>, vector<1x16xf32>,
        %get3A_476 = vector.shape_cast %get3A_475 : vector<1x16xf32> to vector<16xf32>
        %add3A_477 = arith.constant 2 : i32
        %add3A_478 = arith.addi %mul3A_92, %add3A_477 : i32
        %get3A_479 = arith.index_cast %add3A_478 : i32 to index
        %get3A_480 = arith.constant 48 : index
        %get3A_481 = tpu.vector_load %arg12[%get3A_479, %get3A_480] {strides = array<i32>} : memref<200x128xf32, #tpu.memory_space<vmem>>, vector<1x16xf32>,
        %get3A_482 = vector.shape_cast %get3A_481 : vector<1x16xf32> to vector<16xf32>
        %mul3A_483 = arith.mulf %get3A_476, %get3A_482 : vector<16xf32>
        %add3A_484 = arith.constant 2 : i32
        %add3A_485 = arith.addi %mul3A_92, %add3A_484 : i32
        %swap3A_486 = arith.index_cast %add3A_485 : i32 to index
        %swap3A_487 = arith.constant 48 : index
        %swap3A_488 = tpu.vector_load %arg11[%swap3A_486, %swap3A_487] {strides = array<i32>} : memref<200x128xf32, #tpu.memory_space<vmem>>, vector<1x16xf32>,
        %swap3A_489 = vector.shape_cast %swap3A_488 : vector<1x16xf32> to vector<16xf32>
        %swap3A_490 = vector.shape_cast %mul3A_483 : vector<16xf32> to vector<1x16xf32>
        tpu.vector_store %arg11[%swap3A_486, %swap3A_487], %swap3A_490 {strides = array<i32>} : memref<200x128xf32, #tpu.memory_space<vmem>>, vector<1x16xf32>,
        %add3A_491 = arith.constant 2 : i32
        %add3A_492 = arith.addi %mul3A_92, %add3A_491 : i32
        %get3A_493 = arith.index_cast %add3A_492 : i32 to index
        %get3A_494 = arith.constant 64 : index
        %get3A_495 = tpu.vector_load %arg11[%get3A_493, %get3A_494] {strides = array<i32>} : memref<200x128xf32, #tpu.memory_space<vmem>>, vector<1x16xf32>,
        %get3A_496 = vector.shape_cast %get3A_495 : vector<1x16xf32> to vector<16xf32>
        %add3A_497 = arith.constant 2 : i32
        %add3A_498 = arith.addi %mul3A_92, %add3A_497 : i32
        %get3A_499 = arith.index_cast %add3A_498 : i32 to index
        %get3A_500 = arith.constant 64 : index
        %get3A_501 = tpu.vector_load %arg12[%get3A_499, %get3A_500] {strides = array<i32>} : memref<200x128xf32, #tpu.memory_space<vmem>>, vector<1x16xf32>,
        %get3A_502 = vector.shape_cast %get3A_501 : vector<1x16xf32> to vector<16xf32>
        %mul3A_503 = arith.mulf %get3A_496, %get3A_502 : vector<16xf32>
        %add3A_504 = arith.constant 2 : i32
        %add3A_505 = arith.addi %mul3A_92, %add3A_504 : i32
        %swap3A_506 = arith.index_cast %add3A_505 : i32 to index
        %swap3A_507 = arith.constant 64 : index
        %swap3A_508 = tpu.vector_load %arg11[%swap3A_506, %swap3A_507] {strides = array<i32>} : memref<200x128xf32, #tpu.memory_space<vmem>>, vector<1x16xf32>,
        %swap3A_509 = vector.shape_cast %swap3A_508 : vector<1x16xf32> to vector<16xf32>
        %swap3A_510 = vector.shape_cast %mul3A_503 : vector<16xf32> to vector<1x16xf32>
        tpu.vector_store %arg11[%swap3A_506, %swap3A_507], %swap3A_510 {strides = array<i32>} : memref<200x128xf32, #tpu.memory_space<vmem>>, vector<1x16xf32>,
        %add3A_511 = arith.constant 2 : i32
        %add3A_512 = arith.addi %mul3A_92, %add3A_511 : i32
        %get3A_513 = arith.index_cast %add3A_512 : i32 to index
        %get3A_514 = arith.constant 80 : index
        %get3A_515 = tpu.vector_load %arg11[%get3A_513, %get3A_514] {strides = array<i32>} : memref<200x128xf32, #tpu.memory_space<vmem>>, vector<1x16xf32>,
        %get3A_516 = vector.shape_cast %get3A_515 : vector<1x16xf32> to vector<16xf32>
        %add3A_517 = arith.constant 2 : i32
        %add3A_518 = arith.addi %mul3A_92, %add3A_517 : i32
        %get3A_519 = arith.index_cast %add3A_518 : i32 to index
        %get3A_520 = arith.constant 80 : index
        %get3A_521 = tpu.vector_load %arg12[%get3A_519, %get3A_520] {strides = array<i32>} : memref<200x128xf32, #tpu.memory_space<vmem>>, vector<1x16xf32>,
        %get3A_522 = vector.shape_cast %get3A_521 : vector<1x16xf32> to vector<16xf32>
        %mul3A_523 = arith.mulf %get3A_516, %get3A_522 : vector<16xf32>
        %add3A_524 = arith.constant 2 : i32
        %add3A_525 = arith.addi %mul3A_92, %add3A_524 : i32
        %swap3A_526 = arith.index_cast %add3A_525 : i32 to index
        %swap3A_527 = arith.constant 80 : index
        %swap3A_528 = tpu.vector_load %arg11[%swap3A_526, %swap3A_527] {strides = array<i32>} : memref<200x128xf32, #tpu.memory_space<vmem>>, vector<1x16xf32>,
        %swap3A_529 = vector.shape_cast %swap3A_528 : vector<1x16xf32> to vector<16xf32>
        %swap3A_530 = vector.shape_cast %mul3A_523 : vector<16xf32> to vector<1x16xf32>
        tpu.vector_store %arg11[%swap3A_526, %swap3A_527], %swap3A_530 {strides = array<i32>} : memref<200x128xf32, #tpu.memory_space<vmem>>, vector<1x16xf32>,
        %add3A_531 = arith.constant 2 : i32
        %add3A_532 = arith.addi %mul3A_92, %add3A_531 : i32
        %get3A_533 = arith.index_cast %add3A_532 : i32 to index
        %get3A_534 = arith.constant 96 : index
        %get3A_535 = tpu.vector_load %arg11[%get3A_533, %get3A_534] {strides = array<i32>} : memref<200x128xf32, #tpu.memory_space<vmem>>, vector<1x16xf32>,
        %get3A_536 = vector.shape_cast %get3A_535 : vector<1x16xf32> to vector<16xf32>
        %add3A_537 = arith.constant 2 : i32
        %add3A_538 = arith.addi %mul3A_92, %add3A_537 : i32
        %get3A_539 = arith.index_cast %add3A_538 : i32 to index
        %get3A_540 = arith.constant 96 : index
        %get3A_541 = tpu.vector_load %arg12[%get3A_539, %get3A_540] {strides = array<i32>} : memref<200x128xf32, #tpu.memory_space<vmem>>, vector<1x16xf32>,
        %get3A_542 = vector.shape_cast %get3A_541 : vector<1x16xf32> to vector<16xf32>
        %mul3A_543 = arith.mulf %get3A_536, %get3A_542 : vector<16xf32>
        %add3A_544 = arith.constant 2 : i32
        %add3A_545 = arith.addi %mul3A_92, %add3A_544 : i32
        %swap3A_546 = arith.index_cast %add3A_545 : i32 to index
        %swap3A_547 = arith.constant 96 : index
        %swap3A_548 = tpu.vector_load %arg11[%swap3A_546, %swap3A_547] {strides = array<i32>} : memref<200x128xf32, #tpu.memory_space<vmem>>, vector<1x16xf32>,
        %swap3A_549 = vector.shape_cast %swap3A_548 : vector<1x16xf32> to vector<16xf32>
        %swap3A_550 = vector.shape_cast %mul3A_543 : vector<16xf32> to vector<1x16xf32>
        tpu.vector_store %arg11[%swap3A_546, %swap3A_547], %swap3A_550 {strides = array<i32>} : memref<200x128xf32, #tpu.memory_space<vmem>>, vector<1x16xf32>,
        %add3A_551 = arith.constant 2 : i32
        %add3A_552 = arith.addi %mul3A_92, %add3A_551 : i32
        %get3A_553 = arith.index_cast %add3A_552 : i32 to index
        %get3A_554 = arith.constant 112 : index
        %get3A_555 = tpu.vector_load %arg11[%get3A_553, %get3A_554] {strides = array<i32>} : memref<200x128xf32, #tpu.memory_space<vmem>>, vector<1x16xf32>,
        %get3A_556 = vector.shape_cast %get3A_555 : vector<1x16xf32> to vector<16xf32>
        %add3A_557 = arith.constant 2 : i32
        %add3A_558 = arith.addi %mul3A_92, %add3A_557 : i32
        %get3A_559 = arith.index_cast %add3A_558 : i32 to index
        %get3A_560 = arith.constant 112 : index
        %get3A_561 = tpu.vector_load %arg12[%get3A_559, %get3A_560] {strides = array<i32>} : memref<200x128xf32, #tpu.memory_space<vmem>>, vector<1x16xf32>,
        %get3A_562 = vector.shape_cast %get3A_561 : vector<1x16xf32> to vector<16xf32>
        %mul3A_563 = arith.mulf %get3A_556, %get3A_562 : vector<16xf32>
        %add3A_564 = arith.constant 2 : i32
        %add3A_565 = arith.addi %mul3A_92, %add3A_564 : i32
        %swap3A_566 = arith.index_cast %add3A_565 : i32 to index
        %swap3A_567 = arith.constant 112 : index
        %swap3A_568 = tpu.vector_load %arg11[%swap3A_566, %swap3A_567] {strides = array<i32>} : memref<200x128xf32, #tpu.memory_space<vmem>>, vector<1x16xf32>,
        %swap3A_569 = vector.shape_cast %swap3A_568 : vector<1x16xf32> to vector<16xf32>
        %swap3A_570 = vector.shape_cast %mul3A_563 : vector<16xf32> to vector<1x16xf32>
        tpu.vector_store %arg11[%swap3A_566, %swap3A_567], %swap3A_570 {strides = array<i32>} : memref<200x128xf32, #tpu.memory_space<vmem>>, vector<1x16xf32>,
        %add3A_571 = arith.constant 3 : i32
        %add3A_572 = arith.addi %mul3A_92, %add3A_571 : i32
        %get3A_573 = arith.index_cast %add3A_572 : i32 to index
        %get3A_574 = arith.constant 0 : index
        %get3A_575 = tpu.vector_load %arg11[%get3A_573, %get3A_574] {strides = array<i32>} : memref<200x128xf32, #tpu.memory_space<vmem>>, vector<1x16xf32>,
        %get3A_576 = vector.shape_cast %get3A_575 : vector<1x16xf32> to vector<16xf32>
        %add3A_577 = arith.constant 3 : i32
        %add3A_578 = arith.addi %mul3A_92, %add3A_577 : i32
        %get3A_579 = arith.index_cast %add3A_578 : i32 to index
        %get3A_580 = arith.constant 0 : index
        %get3A_581 = tpu.vector_load %arg12[%get3A_579, %get3A_580] {strides = array<i32>} : memref<200x128xf32, #tpu.memory_space<vmem>>, vector<1x16xf32>,
        %get3A_582 = vector.shape_cast %get3A_581 : vector<1x16xf32> to vector<16xf32>
        %mul3A_583 = arith.mulf %get3A_576, %get3A_582 : vector<16xf32>
        %add3A_584 = arith.constant 3 : i32
        %add3A_585 = arith.addi %mul3A_92, %add3A_584 : i32
        %swap3A_586 = arith.index_cast %add3A_585 : i32 to index
        %swap3A_587 = arith.constant 0 : index
        %swap3A_588 = tpu.vector_load %arg11[%swap3A_586, %swap3A_587] {strides = array<i32>} : memref<200x128xf32, #tpu.memory_space<vmem>>, vector<1x16xf32>,
        %swap3A_589 = vector.shape_cast %swap3A_588 : vector<1x16xf32> to vector<16xf32>
        %swap3A_590 = vector.shape_cast %mul3A_583 : vector<16xf32> to vector<1x16xf32>
        tpu.vector_store %arg11[%swap3A_586, %swap3A_587], %swap3A_590 {strides = array<i32>} : memref<200x128xf32, #tpu.memory_space<vmem>>, vector<1x16xf32>,
        %add3A_591 = arith.constant 3 : i32
        %add3A_592 = arith.addi %mul3A_92, %add3A_591 : i32
        %get3A_593 = arith.index_cast %add3A_592 : i32 to index
        %get3A_594 = arith.constant 16 : index
        %get3A_595 = tpu.vector_load %arg11[%get3A_593, %get3A_594] {strides = array<i32>} : memref<200x128xf32, #tpu.memory_space<vmem>>, vector<1x16xf32>,
        %get3A_596 = vector.shape_cast %get3A_595 : vector<1x16xf32> to vector<16xf32>
        %add3A_597 = arith.constant 3 : i32
        %add3A_598 = arith.addi %mul3A_92, %add3A_597 : i32
        %get3A_599 = arith.index_cast %add3A_598 : i32 to index
        %get3A_600 = arith.constant 16 : index
        %get3A_601 = tpu.vector_load %arg12[%get3A_599, %get3A_600] {strides = array<i32>} : memref<200x128xf32, #tpu.memory_space<vmem>>, vector<1x16xf32>,
        %get3A_602 = vector.shape_cast %get3A_601 : vector<1x16xf32> to vector<16xf32>
        %mul3A_603 = arith.mulf %get3A_596, %get3A_602 : vector<16xf32>
        %add3A_604 = arith.constant 3 : i32
        %add3A_605 = arith.addi %mul3A_92, %add3A_604 : i32
        %swap3A_606 = arith.index_cast %add3A_605 : i32 to index
        %swap3A_607 = arith.constant 16 : index
        %swap3A_608 = tpu.vector_load %arg11[%swap3A_606, %swap3A_607] {strides = array<i32>} : memref<200x128xf32, #tpu.memory_space<vmem>>, vector<1x16xf32>,
        %swap3A_609 = vector.shape_cast %swap3A_608 : vector<1x16xf32> to vector<16xf32>
        %swap3A_610 = vector.shape_cast %mul3A_603 : vector<16xf32> to vector<1x16xf32>
        tpu.vector_store %arg11[%swap3A_606, %swap3A_607], %swap3A_610 {strides = array<i32>} : memref<200x128xf32, #tpu.memory_space<vmem>>, vector<1x16xf32>,
        %add3A_611 = arith.constant 3 : i32
        %add3A_612 = arith.addi %mul3A_92, %add3A_611 : i32
        %get3A_613 = arith.index_cast %add3A_612 : i32 to index
        %get3A_614 = arith.constant 32 : index
        %get3A_615 = tpu.vector_load %arg11[%get3A_613, %get3A_614] {strides = array<i32>} : memref<200x128xf32, #tpu.memory_space<vmem>>, vector<1x16xf32>,
        %get3A_616 = vector.shape_cast %get3A_615 : vector<1x16xf32> to vector<16xf32>
        %add3A_617 = arith.constant 3 : i32
        %add3A_618 = arith.addi %mul3A_92, %add3A_617 : i32
        %get3A_619 = arith.index_cast %add3A_618 : i32 to index
        %get3A_620 = arith.constant 32 : index
        %get3A_621 = tpu.vector_load %arg12[%get3A_619, %get3A_620] {strides = array<i32>} : memref<200x128xf32, #tpu.memory_space<vmem>>, vector<1x16xf32>,
        %get3A_622 = vector.shape_cast %get3A_621 : vector<1x16xf32> to vector<16xf32>
        %mul3A_623 = arith.mulf %get3A_616, %get3A_622 : vector<16xf32>
        %add3A_624 = arith.constant 3 : i32
        %add3A_625 = arith.addi %mul3A_92, %add3A_624 : i32
        %swap3A_626 = arith.index_cast %add3A_625 : i32 to index
        %swap3A_627 = arith.constant 32 : index
        %swap3A_628 = tpu.vector_load %arg11[%swap3A_626, %swap3A_627] {strides = array<i32>} : memref<200x128xf32, #tpu.memory_space<vmem>>, vector<1x16xf32>,
        %swap3A_629 = vector.shape_cast %swap3A_628 : vector<1x16xf32> to vector<16xf32>
        %swap3A_630 = vector.shape_cast %mul3A_623 : vector<16xf32> to vector<1x16xf32>
        tpu.vector_store %arg11[%swap3A_626, %swap3A_627], %swap3A_630 {strides = array<i32>} : memref<200x128xf32, #tpu.memory_space<vmem>>, vector<1x16xf32>,
        %add3A_631 = arith.constant 3 : i32
        %add3A_632 = arith.addi %mul3A_92, %add3A_631 : i32
        %get3A_633 = arith.index_cast %add3A_632 : i32 to index
        %get3A_634 = arith.constant 48 : index
        %get3A_635 = tpu.vector_load %arg11[%get3A_633, %get3A_634] {strides = array<i32>} : memref<200x128xf32, #tpu.memory_space<vmem>>, vector<1x16xf32>,
        %get3A_636 = vector.shape_cast %get3A_635 : vector<1x16xf32> to vector<16xf32>
        %add3A_637 = arith.constant 3 : i32
        %add3A_638 = arith.addi %mul3A_92, %add3A_637 : i32
        %get3A_639 = arith.index_cast %add3A_638 : i32 to index
        %get3A_640 = arith.constant 48 : index
        %get3A_641 = tpu.vector_load %arg12[%get3A_639, %get3A_640] {strides = array<i32>} : memref<200x128xf32, #tpu.memory_space<vmem>>, vector<1x16xf32>,
        %get3A_642 = vector.shape_cast %get3A_641 : vector<1x16xf32> to vector<16xf32>
        %mul3A_643 = arith.mulf %get3A_636, %get3A_642 : vector<16xf32>
        %add3A_644 = arith.constant 3 : i32
        %add3A_645 = arith.addi %mul3A_92, %add3A_644 : i32
        %swap3A_646 = arith.index_cast %add3A_645 : i32 to index
        %swap3A_647 = arith.constant 48 : index
        %swap3A_648 = tpu.vector_load %arg11[%swap3A_646, %swap3A_647] {strides = array<i32>} : memref<200x128xf32, #tpu.memory_space<vmem>>, vector<1x16xf32>,
        %swap3A_649 = vector.shape_cast %swap3A_648 : vector<1x16xf32> to vector<16xf32>
        %swap3A_650 = vector.shape_cast %mul3A_643 : vector<16xf32> to vector<1x16xf32>
        tpu.vector_store %arg11[%swap3A_646, %swap3A_647], %swap3A_650 {strides = array<i32>} : memref<200x128xf32, #tpu.memory_space<vmem>>, vector<1x16xf32>,
        %add3A_651 = arith.constant 3 : i32
        %add3A_652 = arith.addi %mul3A_92, %add3A_651 : i32
        %get3A_653 = arith.index_cast %add3A_652 : i32 to index
        %get3A_654 = arith.constant 64 : index
        %get3A_655 = tpu.vector_load %arg11[%get3A_653, %get3A_654] {strides = array<i32>} : memref<200x128xf32, #tpu.memory_space<vmem>>, vector<1x16xf32>,
        %get3A_656 = vector.shape_cast %get3A_655 : vector<1x16xf32> to vector<16xf32>
        %add3A_657 = arith.constant 3 : i32
        %add3A_658 = arith.addi %mul3A_92, %add3A_657 : i32
        %get3A_659 = arith.index_cast %add3A_658 : i32 to index
        %get3A_660 = arith.constant 64 : index
        %get3A_661 = tpu.vector_load %arg12[%get3A_659, %get3A_660] {strides = array<i32>} : memref<200x128xf32, #tpu.memory_space<vmem>>, vector<1x16xf32>,
        %get3A_662 = vector.shape_cast %get3A_661 : vector<1x16xf32> to vector<16xf32>
        %mul3A_663 = arith.mulf %get3A_656, %get3A_662 : vector<16xf32>
        %add3A_664 = arith.constant 3 : i32
        %add3A_665 = arith.addi %mul3A_92, %add3A_664 : i32
        %swap3A_666 = arith.index_cast %add3A_665 : i32 to index
        %swap3A_667 = arith.constant 64 : index
        %swap3A_668 = tpu.vector_load %arg11[%swap3A_666, %swap3A_667] {strides = array<i32>} : memref<200x128xf32, #tpu.memory_space<vmem>>, vector<1x16xf32>,
        %swap3A_669 = vector.shape_cast %swap3A_668 : vector<1x16xf32> to vector<16xf32>
        %swap3A_670 = vector.shape_cast %mul3A_663 : vector<16xf32> to vector<1x16xf32>
        tpu.vector_store %arg11[%swap3A_666, %swap3A_667], %swap3A_670 {strides = array<i32>} : memref<200x128xf32, #tpu.memory_space<vmem>>, vector<1x16xf32>,
        %add3A_671 = arith.constant 3 : i32
        %add3A_672 = arith.addi %mul3A_92, %add3A_671 : i32
        %get3A_673 = arith.index_cast %add3A_672 : i32 to index
        %get3A_674 = arith.constant 80 : index
        %get3A_675 = tpu.vector_load %arg11[%get3A_673, %get3A_674] {strides = array<i32>} : memref<200x128xf32, #tpu.memory_space<vmem>>, vector<1x16xf32>,
        %get3A_676 = vector.shape_cast %get3A_675 : vector<1x16xf32> to vector<16xf32>
        %add3A_677 = arith.constant 3 : i32
        %add3A_678 = arith.addi %mul3A_92, %add3A_677 : i32
        %get3A_679 = arith.index_cast %add3A_678 : i32 to index
        %get3A_680 = arith.constant 80 : index
        %get3A_681 = tpu.vector_load %arg12[%get3A_679, %get3A_680] {strides = array<i32>} : memref<200x128xf32, #tpu.memory_space<vmem>>, vector<1x16xf32>,
        %get3A_682 = vector.shape_cast %get3A_681 : vector<1x16xf32> to vector<16xf32>
        %mul3A_683 = arith.mulf %get3A_676, %get3A_682 : vector<16xf32>
        %add3A_684 = arith.constant 3 : i32
        %add3A_685 = arith.addi %mul3A_92, %add3A_684 : i32
        %swap3A_686 = arith.index_cast %add3A_685 : i32 to index
        %swap3A_687 = arith.constant 80 : index
        %swap3A_688 = tpu.vector_load %arg11[%swap3A_686, %swap3A_687] {strides = array<i32>} : memref<200x128xf32, #tpu.memory_space<vmem>>, vector<1x16xf32>,
        %swap3A_689 = vector.shape_cast %swap3A_688 : vector<1x16xf32> to vector<16xf32>
        %swap3A_690 = vector.shape_cast %mul3A_683 : vector<16xf32> to vector<1x16xf32>
        tpu.vector_store %arg11[%swap3A_686, %swap3A_687], %swap3A_690 {strides = array<i32>} : memref<200x128xf32, #tpu.memory_space<vmem>>, vector<1x16xf32>,
        %add3A_691 = arith.constant 3 : i32
        %add3A_692 = arith.addi %mul3A_92, %add3A_691 : i32
        %get3A_693 = arith.index_cast %add3A_692 : i32 to index
        %get3A_694 = arith.constant 96 : index
        %get3A_695 = tpu.vector_load %arg11[%get3A_693, %get3A_694] {strides = array<i32>} : memref<200x128xf32, #tpu.memory_space<vmem>>, vector<1x16xf32>,
        %get3A_696 = vector.shape_cast %get3A_695 : vector<1x16xf32> to vector<16xf32>
        %add3A_697 = arith.constant 3 : i32
        %add3A_698 = arith.addi %mul3A_92, %add3A_697 : i32
        %get3A_699 = arith.index_cast %add3A_698 : i32 to index
        %get3A_700 = arith.constant 96 : index
        %get3A_701 = tpu.vector_load %arg12[%get3A_699, %get3A_700] {strides = array<i32>} : memref<200x128xf32, #tpu.memory_space<vmem>>, vector<1x16xf32>,
        %get3A_702 = vector.shape_cast %get3A_701 : vector<1x16xf32> to vector<16xf32>
        %mul3A_703 = arith.mulf %get3A_696, %get3A_702 : vector<16xf32>
        %add3A_704 = arith.constant 3 : i32
        %add3A_705 = arith.addi %mul3A_92, %add3A_704 : i32
        %swap3A_706 = arith.index_cast %add3A_705 : i32 to index
        %swap3A_707 = arith.constant 96 : index
        %swap3A_708 = tpu.vector_load %arg11[%swap3A_706, %swap3A_707] {strides = array<i32>} : memref<200x128xf32, #tpu.memory_space<vmem>>, vector<1x16xf32>,
        %swap3A_709 = vector.shape_cast %swap3A_708 : vector<1x16xf32> to vector<16xf32>
        %swap3A_710 = vector.shape_cast %mul3A_703 : vector<16xf32> to vector<1x16xf32>
        tpu.vector_store %arg11[%swap3A_706, %swap3A_707], %swap3A_710 {strides = array<i32>} : memref<200x128xf32, #tpu.memory_space<vmem>>, vector<1x16xf32>,
        %add3A_711 = arith.constant 3 : i32
        %add3A_712 = arith.addi %mul3A_92, %add3A_711 : i32
        %get3A_713 = arith.index_cast %add3A_712 : i32 to index
        %get3A_714 = arith.constant 112 : index
        %get3A_715 = tpu.vector_load %arg11[%get3A_713, %get3A_714] {strides = array<i32>} : memref<200x128xf32, #tpu.memory_space<vmem>>, vector<1x16xf32>,
        %get3A_716 = vector.shape_cast %get3A_715 : vector<1x16xf32> to vector<16xf32>
        %add3A_717 = arith.constant 3 : i32
        %add3A_718 = arith.addi %mul3A_92, %add3A_717 : i32
        %get3A_719 = arith.index_cast %add3A_718 : i32 to index
        %get3A_720 = arith.constant 112 : index
        %get3A_721 = tpu.vector_load %arg12[%get3A_719, %get3A_720] {strides = array<i32>} : memref<200x128xf32, #tpu.memory_space<vmem>>, vector<1x16xf32>,
        %get3A_722 = vector.shape_cast %get3A_721 : vector<1x16xf32> to vector<16xf32>
        %mul3A_723 = arith.mulf %get3A_716, %get3A_722 : vector<16xf32>
        %add3A_724 = arith.constant 3 : i32
        %add3A_725 = arith.addi %mul3A_92, %add3A_724 : i32
        %swap3A_726 = arith.index_cast %add3A_725 : i32 to index
        %swap3A_727 = arith.constant 112 : index
        %swap3A_728 = tpu.vector_load %arg11[%swap3A_726, %swap3A_727] {strides = array<i32>} : memref<200x128xf32, #tpu.memory_space<vmem>>, vector<1x16xf32>,
        %swap3A_729 = vector.shape_cast %swap3A_728 : vector<1x16xf32> to vector<16xf32>
        %swap3A_730 = vector.shape_cast %mul3A_723 : vector<16xf32> to vector<1x16xf32>
        tpu.vector_store %arg11[%swap3A_726, %swap3A_727], %swap3A_730 {strides = array<i32>} : memref<200x128xf32, #tpu.memory_space<vmem>>, vector<1x16xf32>,
        %scan3A_731 = arith.constant 0 : i32
        scf.yield %scan3A_731 : i32
      }
      %scan3A_68 = arith.constant 50 : i32
      %dma_start3A_69 = arith.constant 0 : i32
      %dma_start3A_70 = tpu.memref_slice %arg7[%arg0, %add3A, %dma_start3A_69] : memref<2x160000x128xf32, #tpu.memory_space<hbm>> -> memref<1x200x128xf32, #tpu.memory_space<hbm>>
      %dma_start3A_71 = tpu.memref_squeeze %dma_start3A_70 : memref<1x200x128xf32, #tpu.memory_space<hbm>> -> memref<200x128xf32, #tpu.memory_space<hbm>>
      %dma_start3A_72 = arith.constant 0 : i32
      %dma_start3A_73 = tpu.memref_slice %arg7[%arg0, %add3A, %dma_start3A_72] : memref<2x160000x128xf32, #tpu.memory_space<hbm>> -> memref<1x200x128xf32, #tpu.memory_space<hbm>>
      %dma_start3A_74 = tpu.memref_squeeze %dma_start3A_73 : memref<1x200x128xf32, #tpu.memory_space<hbm>> -> memref<200x128xf32, #tpu.memory_space<hbm>>
      tpu.enqueue_dma source(%arg11 : memref<200x128xf32, #tpu.memory_space<vmem>>) target(%dma_start3A_74 : memref<200x128xf32, #tpu.memory_space<hbm>>) target_semaphore(%arg17 : memref<!tpu.dma_semaphore, #tpu.memory_space<semaphore_mem>>)
      %dma_wait3A_75 = arith.constant 0 : i32
      %dma_wait3A_76 = arith.constant 0 : i32
      %dma_wait3A_77 = tpu.memref_slice %arg4[%arg0, %dma_wait3A_75, %dma_wait3A_76] : memref<2x10000x128xf32, #tpu.memory_space<hbm>> -> memref<1x10000x128xf32, #tpu.memory_space<hbm>>
      %dma_wait3A_78 = tpu.memref_squeeze %dma_wait3A_77 : memref<1x10000x128xf32, #tpu.memory_space<hbm>> -> memref<10000x128xf32, #tpu.memory_space<hbm>>
      %dma_wait3A_79 = arith.constant 0 : i32
      %dma_wait3A_80 = arith.constant 0 : i32
      %dma_wait3A_81 = tpu.memref_slice %dma_wait3A_78[%dma_wait3A_79, %dma_wait3A_80] : memref<10000x128xf32, #tpu.memory_space<hbm>> -> memref<10000x128xf32, #tpu.memory_space<hbm>>
      tpu.wait_indirect_dma semaphore(%arg16 : memref<!tpu.dma_semaphore, #tpu.memory_space<semaphore_mem>>) src(%dma_wait3A_81 : memref<10000x128xf32, #tpu.memory_space<hbm>>) dst(%arg13 : memref<200x128xf32, #tpu.memory_space<vmem>>)
      %dma_start3A_82 = arith.constant 0 : i32
      %dma_start3A_83 = tpu.memref_slice %arg8[%arg0, %add3A, %dma_start3A_82] : memref<2x160000x128xf32, #tpu.memory_space<hbm>> -> memref<1x200x128xf32, #tpu.memory_space<hbm>>
      %dma_start3A_84 = tpu.memref_squeeze %dma_start3A_83 : memref<1x200x128xf32, #tpu.memory_space<hbm>> -> memref<200x128xf32, #tpu.memory_space<hbm>>
      %dma_start3A_85 = arith.constant 0 : i32
      %dma_start3A_86 = tpu.memref_slice %arg8[%arg0, %add3A, %dma_start3A_85] : memref<2x160000x128xf32, #tpu.memory_space<hbm>> -> memref<1x200x128xf32, #tpu.memory_space<hbm>>
      %dma_start3A_87 = tpu.memref_squeeze %dma_start3A_86 : memref<1x200x128xf32, #tpu.memory_space<hbm>> -> memref<200x128xf32, #tpu.memory_space<hbm>>
      tpu.enqueue_dma source(%arg13 : memref<200x128xf32, #tpu.memory_space<vmem>>) target(%dma_start3A_87 : memref<200x128xf32, #tpu.memory_space<hbm>>) target_semaphore(%arg17 : memref<!tpu.dma_semaphore, #tpu.memory_space<semaphore_mem>>)
      %scan3A_88 = arith.constant 0 : i32
      scf.yield %scan3A_88 : i32
    }
    %scan3A_5 = arith.constant 50 : i32
    %dma_wait3A = arith.constant 0 : i32
    %dma_wait3A_6 = arith.constant 0 : i32
    %dma_wait3A_7 = tpu.memref_slice %arg7[%arg0, %dma_wait3A, %dma_wait3A_6] : memref<2x160000x128xf32, #tpu.memory_space<hbm>> -> memref<1x200x128xf32, #tpu.memory_space<hbm>>
    %dma_wait3A_8 = tpu.memref_squeeze %dma_wait3A_7 : memref<1x200x128xf32, #tpu.memory_space<hbm>> -> memref<200x128xf32, #tpu.memory_space<hbm>>
    %dma_wait3A_9 = arith.constant 0 : i32
    %dma_wait3A_10 = arith.constant 0 : i32
    %dma_wait3A_11 = tpu.memref_slice %arg7[%arg0, %dma_wait3A_9, %dma_wait3A_10] : memref<2x160000x128xf32, #tpu.memory_space<hbm>> -> memref<1x200x128xf32, #tpu.memory_space<hbm>>
    %dma_wait3A_12 = tpu.memref_squeeze %dma_wait3A_11 : memref<1x200x128xf32, #tpu.memory_space<hbm>> -> memref<200x128xf32, #tpu.memory_space<hbm>>
    tpu.wait_dma2 semaphore(%arg17 : memref<!tpu.dma_semaphore, #tpu.memory_space<semaphore_mem>>) src(%dma_wait3A_12 : memref<200x128xf32, #tpu.memory_space<hbm>>) dst(%arg11 : memref<200x128xf32, #tpu.memory_space<vmem>>)
    %dma_wait3A_13 = arith.constant 0 : i32
    %dma_wait3A_14 = arith.constant 0 : i32
    %dma_wait3A_15 = tpu.memref_slice %arg7[%arg0, %dma_wait3A_13, %dma_wait3A_14] : memref<2x160000x128xf32, #tpu.memory_space<hbm>> -> memref<1x200x128xf32, #tpu.memory_space<hbm>>
    %dma_wait3A_16 = tpu.memref_squeeze %dma_wait3A_15 : memref<1x200x128xf32, #tpu.memory_space<hbm>> -> memref<200x128xf32, #tpu.memory_space<hbm>>
    %dma_wait3A_17 = arith.constant 0 : i32
    %dma_wait3A_18 = arith.constant 0 : i32
    %dma_wait3A_19 = tpu.memref_slice %arg7[%arg0, %dma_wait3A_17, %dma_wait3A_18] : memref<2x160000x128xf32, #tpu.memory_space<hbm>> -> memref<1x200x128xf32, #tpu.memory_space<hbm>>
    %dma_wait3A_20 = tpu.memref_squeeze %dma_wait3A_19 : memref<1x200x128xf32, #tpu.memory_space<hbm>> -> memref<200x128xf32, #tpu.memory_space<hbm>>
    tpu.wait_dma2 semaphore(%arg17 : memref<!tpu.dma_semaphore, #tpu.memory_space<semaphore_mem>>) src(%dma_wait3A_20 : memref<200x128xf32, #tpu.memory_space<hbm>>) dst(%arg11 : memref<200x128xf32, #tpu.memory_space<vmem>>)
    return
  }
}

#map = affine_map<(d0, d1) -> (0, 0, 0)>
#map1 = affine_map<(d0, d1) -> (0)>
#map2 = affine_map<(d0, d1) -> (0, 0)>
module attributes {stable_mosaic.version = 14 : i64} {
  func.func @_agg_body(%arg0: i32, %arg1: i32, %arg2: memref<2x160000x128xf32, #tpu.memory_space<hbm>>, %arg3: memref<2x160000x128xf32, #tpu.memory_space<hbm>>, %arg4: memref<160000xi32, #tpu.memory_space<hbm>>, %arg5: memref<10112x128xf32, #tpu.memory_space<hbm>>, %arg6: memref<2x10112x128xf32, #tpu.memory_space<hbm>>, %arg7: memref<2x10112x128xf32, #tpu.memory_space<hbm>>, %arg8: memref<10112x128xf32, #tpu.memory_space<vmem_shared>>, %arg9: memref<200xi32, #tpu.memory_space<vmem>>, %arg10: memref<200x128xf32, #tpu.memory_space<vmem>>, %arg11: memref<!tpu.dma_semaphore, #tpu.memory_space<semaphore_mem>>) attributes {dimension_semantics = [#tpu.dimension_semantics<core_parallel>, #tpu.dimension_semantics<subcore_parallel>], iteration_bounds = array<i64: 2, 16>, scalar_prefetch = 0 : i64, scratch_operands = 4 : i64, tpu.core_type = #tpu.core_type<sc_vector_subcore>, window_params = [{transform_indices = #map}, {transform_indices = #map}, {transform_indices = #map1}, {transform_indices = #map2}, {transform_indices = #map}, {transform_indices = #map}]} {
    %mul3A = arith.constant 632 : i32
    %mul3A_0 = arith.muli %arg1, %mul3A : i32
    "tpu.region"() ({
      %run_scoped3A = tpu.sem_alloc : memref<!tpu.dma_semaphore, #tpu.memory_space<semaphore_mem>>
      %dma_start3A = arith.constant 0 : i32
      %dma_start3A_19 = tpu.memref_slice %arg8[%mul3A_0, %dma_start3A] : memref<10112x128xf32, #tpu.memory_space<vmem_shared>> -> memref<632x128xf32, #tpu.memory_space<vmem_shared>>
      %dma_start3A_20 = arith.constant 0 : i32
      %dma_start3A_21 = tpu.memref_slice %arg5[%mul3A_0, %dma_start3A_20] : memref<10112x128xf32, #tpu.memory_space<hbm>> -> memref<632x128xf32, #tpu.memory_space<hbm>>
      tpu.enqueue_dma source(%dma_start3A_21 : memref<632x128xf32, #tpu.memory_space<hbm>>) target(%dma_start3A_19 : memref<632x128xf32, #tpu.memory_space<vmem_shared>>) target_semaphore(%run_scoped3A : memref<!tpu.dma_semaphore, #tpu.memory_space<semaphore_mem>>)
      %dma_wait3A = arith.constant 0 : i32
      %dma_wait3A_22 = tpu.memref_slice %arg8[%mul3A_0, %dma_wait3A] : memref<10112x128xf32, #tpu.memory_space<vmem_shared>> -> memref<632x128xf32, #tpu.memory_space<vmem_shared>>
      %dma_wait3A_23 = arith.constant 0 : i32
      %dma_wait3A_24 = tpu.memref_slice %arg5[%mul3A_0, %dma_wait3A_23] : memref<10112x128xf32, #tpu.memory_space<hbm>> -> memref<632x128xf32, #tpu.memory_space<hbm>>
      tpu.wait_dma2 semaphore(%run_scoped3A : memref<!tpu.dma_semaphore, #tpu.memory_space<semaphore_mem>>) src(%dma_wait3A_24 : memref<632x128xf32, #tpu.memory_space<hbm>>) dst(%dma_wait3A_22 : memref<632x128xf32, #tpu.memory_space<vmem_shared>>)
      tpu.yield
    }) : () -> ()
    %barrier3A = arith.constant 0 : index
    tpu.barrier barrier_id(%barrier3A)
    %scan3A = arith.constant 0 : i32
    %scan3A_1 = arith.constant 0 : i32
    %scan3A_2 = arith.constant 50 : i32
    %scan3A_3 = arith.addi %scan3A_1, %scan3A_2 : i32
    %scan3A_4 = arith.constant 1 : i32
    %scan3A_5 = scf.for %scan3A_19 = %scan3A_1 to %scan3A_3 step %scan3A_4 iter_args(%scan3A_20 = %scan3A) -> (i32)  : i32 {
      %mul3A_21 = arith.constant 10000 : i32
      %mul3A_22 = arith.muli %arg1, %mul3A_21 : i32
      %mul3A_23 = arith.constant 200 : i32
      %mul3A_24 = arith.muli %scan3A_19, %mul3A_23 : i32
      %add3A = arith.addi %mul3A_22, %mul3A_24 : i32
      %dma_start3A = arith.constant 0 : i32
      %dma_start3A_25 = arith.constant 0 : i32
      %dma_start3A_26 = tpu.memref_slice %arg2[%arg0, %dma_start3A, %dma_start3A_25] : memref<2x160000x128xf32, #tpu.memory_space<hbm>> -> memref<1x160000x128xf32, #tpu.memory_space<hbm>>
      %dma_start3A_27 = tpu.memref_squeeze %dma_start3A_26 : memref<1x160000x128xf32, #tpu.memory_space<hbm>> -> memref<160000x128xf32, #tpu.memory_space<hbm>>
      %dma_start3A_28 = arith.constant 0 : i32
      %dma_start3A_29 = tpu.memref_slice %dma_start3A_27[%add3A, %dma_start3A_28] : memref<160000x128xf32, #tpu.memory_space<hbm>> -> memref<200x128xf32, #tpu.memory_space<hbm>>
      %dma_start3A_30 = arith.constant 0 : i32
      %dma_start3A_31 = arith.constant 0 : i32
      %dma_start3A_32 = tpu.memref_slice %arg2[%arg0, %dma_start3A_30, %dma_start3A_31] : memref<2x160000x128xf32, #tpu.memory_space<hbm>> -> memref<1x160000x128xf32, #tpu.memory_space<hbm>>
      %dma_start3A_33 = tpu.memref_squeeze %dma_start3A_32 : memref<1x160000x128xf32, #tpu.memory_space<hbm>> -> memref<160000x128xf32, #tpu.memory_space<hbm>>
      %dma_start3A_34 = arith.constant 0 : i32
      %dma_start3A_35 = tpu.memref_slice %dma_start3A_33[%add3A, %dma_start3A_34] : memref<160000x128xf32, #tpu.memory_space<hbm>> -> memref<200x128xf32, #tpu.memory_space<hbm>>
      tpu.enqueue_dma source(%dma_start3A_35 : memref<200x128xf32, #tpu.memory_space<hbm>>) target(%arg10 : memref<200x128xf32, #tpu.memory_space<vmem>>) target_semaphore(%arg11 : memref<!tpu.dma_semaphore, #tpu.memory_space<semaphore_mem>>)
      "tpu.region"() ({
        %run_scoped3A = tpu.sem_alloc : memref<!tpu.dma_semaphore, #tpu.memory_space<semaphore_mem>>
        %dma_start3A_48 = tpu.memref_slice %arg4[%add3A] : memref<160000xi32, #tpu.memory_space<hbm>> -> memref<200xi32, #tpu.memory_space<hbm>>
        %dma_start3A_49 = tpu.memref_slice %arg4[%add3A] : memref<160000xi32, #tpu.memory_space<hbm>> -> memref<200xi32, #tpu.memory_space<hbm>>
        tpu.enqueue_dma source(%dma_start3A_49 : memref<200xi32, #tpu.memory_space<hbm>>) target(%arg9 : memref<200xi32, #tpu.memory_space<vmem>>) target_semaphore(%run_scoped3A : memref<!tpu.dma_semaphore, #tpu.memory_space<semaphore_mem>>)
        %dma_wait3A_50 = tpu.memref_slice %arg4[%add3A] : memref<160000xi32, #tpu.memory_space<hbm>> -> memref<200xi32, #tpu.memory_space<hbm>>
        %dma_wait3A_51 = tpu.memref_slice %arg4[%add3A] : memref<160000xi32, #tpu.memory_space<hbm>> -> memref<200xi32, #tpu.memory_space<hbm>>
        tpu.wait_dma2 semaphore(%run_scoped3A : memref<!tpu.dma_semaphore, #tpu.memory_space<semaphore_mem>>) src(%dma_wait3A_51 : memref<200xi32, #tpu.memory_space<hbm>>) dst(%arg9 : memref<200xi32, #tpu.memory_space<vmem>>)
        tpu.yield
      }) : () -> ()
      %dma_wait3A = arith.constant 0 : i32
      %dma_wait3A_36 = arith.constant 0 : i32
      %dma_wait3A_37 = tpu.memref_slice %arg2[%arg0, %dma_wait3A, %dma_wait3A_36] : memref<2x160000x128xf32, #tpu.memory_space<hbm>> -> memref<1x160000x128xf32, #tpu.memory_space<hbm>>
      %dma_wait3A_38 = tpu.memref_squeeze %dma_wait3A_37 : memref<1x160000x128xf32, #tpu.memory_space<hbm>> -> memref<160000x128xf32, #tpu.memory_space<hbm>>
      %dma_wait3A_39 = arith.constant 0 : i32
      %dma_wait3A_40 = tpu.memref_slice %dma_wait3A_38[%add3A, %dma_wait3A_39] : memref<160000x128xf32, #tpu.memory_space<hbm>> -> memref<200x128xf32, #tpu.memory_space<hbm>>
      %dma_wait3A_41 = arith.constant 0 : i32
      %dma_wait3A_42 = arith.constant 0 : i32
      %dma_wait3A_43 = tpu.memref_slice %arg2[%arg0, %dma_wait3A_41, %dma_wait3A_42] : memref<2x160000x128xf32, #tpu.memory_space<hbm>> -> memref<1x160000x128xf32, #tpu.memory_space<hbm>>
      %dma_wait3A_44 = tpu.memref_squeeze %dma_wait3A_43 : memref<1x160000x128xf32, #tpu.memory_space<hbm>> -> memref<160000x128xf32, #tpu.memory_space<hbm>>
      %dma_wait3A_45 = arith.constant 0 : i32
      %dma_wait3A_46 = tpu.memref_slice %dma_wait3A_44[%add3A, %dma_wait3A_45] : memref<160000x128xf32, #tpu.memory_space<hbm>> -> memref<200x128xf32, #tpu.memory_space<hbm>>
      tpu.wait_dma2 semaphore(%arg11 : memref<!tpu.dma_semaphore, #tpu.memory_space<semaphore_mem>>) src(%dma_wait3A_46 : memref<200x128xf32, #tpu.memory_space<hbm>>) dst(%arg10 : memref<200x128xf32, #tpu.memory_space<vmem>>)
      "tpu.region"() ({
        %run_scoped3A = tpu.sem_alloc : memref<!tpu.dma_semaphore, #tpu.memory_space<semaphore_mem>>
        %dma_start3A_48 = arith.constant 0 : i32
        %dma_start3A_49 = arith.constant 0 : i32
        %dma_start3A_50 = tpu.memref_slice %arg8[%dma_start3A_48, %dma_start3A_49] : memref<10112x128xf32, #tpu.memory_space<vmem_shared>> -> memref<10112x128xf32, #tpu.memory_space<vmem_shared>>
        tpu.enqueue_indirect_dma source(%arg10 : memref<200x128xf32, #tpu.memory_space<vmem>>) target(%dma_start3A_50 : memref<10112x128xf32, #tpu.memory_space<vmem_shared>>) offsets(%arg9 : memref<200xi32, #tpu.memory_space<vmem>>) semaphore(%run_scoped3A : memref<!tpu.dma_semaphore, #tpu.memory_space<semaphore_mem>>) {add = true}
        %dma_wait3A_51 = arith.constant 0 : i32
        %dma_wait3A_52 = arith.constant 0 : i32
        %dma_wait3A_53 = tpu.memref_slice %arg8[%dma_wait3A_51, %dma_wait3A_52] : memref<10112x128xf32, #tpu.memory_space<vmem_shared>> -> memref<10112x128xf32, #tpu.memory_space<vmem_shared>>
        tpu.wait_indirect_dma semaphore(%run_scoped3A : memref<!tpu.dma_semaphore, #tpu.memory_space<semaphore_mem>>) src(%arg10 : memref<200x128xf32, #tpu.memory_space<vmem>>) dst(%dma_wait3A_53 : memref<10112x128xf32, #tpu.memory_space<vmem_shared>>)
        tpu.yield
      }) : () -> ()
      %scan3A_47 = arith.constant 0 : i32
      scf.yield %scan3A_47 : i32
    }
    %scan3A_6 = arith.constant 50 : i32
    %barrier3A_7 = arith.constant 0 : index
    tpu.barrier barrier_id(%barrier3A_7)
    "tpu.region"() ({
      %run_scoped3A = tpu.sem_alloc : memref<!tpu.dma_semaphore, #tpu.memory_space<semaphore_mem>>
      %dma_start3A = arith.constant 0 : i32
      %dma_start3A_19 = tpu.memref_slice %arg6[%arg0, %mul3A_0, %dma_start3A] : memref<2x10112x128xf32, #tpu.memory_space<hbm>> -> memref<1x632x128xf32, #tpu.memory_space<hbm>>
      %dma_start3A_20 = tpu.memref_squeeze %dma_start3A_19 : memref<1x632x128xf32, #tpu.memory_space<hbm>> -> memref<632x128xf32, #tpu.memory_space<hbm>>
      %dma_start3A_21 = arith.constant 0 : i32
      %dma_start3A_22 = tpu.memref_slice %arg8[%mul3A_0, %dma_start3A_21] : memref<10112x128xf32, #tpu.memory_space<vmem_shared>> -> memref<632x128xf32, #tpu.memory_space<vmem_shared>>
      tpu.enqueue_dma source(%dma_start3A_22 : memref<632x128xf32, #tpu.memory_space<vmem_shared>>) target(%dma_start3A_20 : memref<632x128xf32, #tpu.memory_space<hbm>>) target_semaphore(%run_scoped3A : memref<!tpu.dma_semaphore, #tpu.memory_space<semaphore_mem>>)
      %dma_wait3A = arith.constant 0 : i32
      %dma_wait3A_23 = tpu.memref_slice %arg6[%arg0, %mul3A_0, %dma_wait3A] : memref<2x10112x128xf32, #tpu.memory_space<hbm>> -> memref<1x632x128xf32, #tpu.memory_space<hbm>>
      %dma_wait3A_24 = tpu.memref_squeeze %dma_wait3A_23 : memref<1x632x128xf32, #tpu.memory_space<hbm>> -> memref<632x128xf32, #tpu.memory_space<hbm>>
      %dma_wait3A_25 = arith.constant 0 : i32
      %dma_wait3A_26 = tpu.memref_slice %arg8[%mul3A_0, %dma_wait3A_25] : memref<10112x128xf32, #tpu.memory_space<vmem_shared>> -> memref<632x128xf32, #tpu.memory_space<vmem_shared>>
      tpu.wait_dma2 semaphore(%run_scoped3A : memref<!tpu.dma_semaphore, #tpu.memory_space<semaphore_mem>>) src(%dma_wait3A_26 : memref<632x128xf32, #tpu.memory_space<vmem_shared>>) dst(%dma_wait3A_24 : memref<632x128xf32, #tpu.memory_space<hbm>>)
      tpu.yield
    }) : () -> ()
    %barrier3A_8 = arith.constant 0 : index
    tpu.barrier barrier_id(%barrier3A_8)
    "tpu.region"() ({
      %run_scoped3A = tpu.sem_alloc : memref<!tpu.dma_semaphore, #tpu.memory_space<semaphore_mem>>
      %dma_start3A = arith.constant 0 : i32
      %dma_start3A_19 = tpu.memref_slice %arg8[%mul3A_0, %dma_start3A] : memref<10112x128xf32, #tpu.memory_space<vmem_shared>> -> memref<632x128xf32, #tpu.memory_space<vmem_shared>>
      %dma_start3A_20 = arith.constant 0 : i32
      %dma_start3A_21 = tpu.memref_slice %arg5[%mul3A_0, %dma_start3A_20] : memref<10112x128xf32, #tpu.memory_space<hbm>> -> memref<632x128xf32, #tpu.memory_space<hbm>>
      tpu.enqueue_dma source(%dma_start3A_21 : memref<632x128xf32, #tpu.memory_space<hbm>>) target(%dma_start3A_19 : memref<632x128xf32, #tpu.memory_space<vmem_shared>>) target_semaphore(%run_scoped3A : memref<!tpu.dma_semaphore, #tpu.memory_space<semaphore_mem>>)
      %dma_wait3A = arith.constant 0 : i32
      %dma_wait3A_22 = tpu.memref_slice %arg8[%mul3A_0, %dma_wait3A] : memref<10112x128xf32, #tpu.memory_space<vmem_shared>> -> memref<632x128xf32, #tpu.memory_space<vmem_shared>>
      %dma_wait3A_23 = arith.constant 0 : i32
      %dma_wait3A_24 = tpu.memref_slice %arg5[%mul3A_0, %dma_wait3A_23] : memref<10112x128xf32, #tpu.memory_space<hbm>> -> memref<632x128xf32, #tpu.memory_space<hbm>>
      tpu.wait_dma2 semaphore(%run_scoped3A : memref<!tpu.dma_semaphore, #tpu.memory_space<semaphore_mem>>) src(%dma_wait3A_24 : memref<632x128xf32, #tpu.memory_space<hbm>>) dst(%dma_wait3A_22 : memref<632x128xf32, #tpu.memory_space<vmem_shared>>)
      tpu.yield
    }) : () -> ()
    %barrier3A_9 = arith.constant 0 : index
    tpu.barrier barrier_id(%barrier3A_9)
    %scan3A_10 = arith.constant 0 : i32
    %scan3A_11 = arith.constant 0 : i32
    %scan3A_12 = arith.constant 50 : i32
    %scan3A_13 = arith.addi %scan3A_11, %scan3A_12 : i32
    %scan3A_14 = arith.constant 1 : i32
    %scan3A_15 = scf.for %scan3A_19 = %scan3A_11 to %scan3A_13 step %scan3A_14 iter_args(%scan3A_20 = %scan3A_10) -> (i32)  : i32 {
      %mul3A_21 = arith.constant 10000 : i32
      %mul3A_22 = arith.muli %arg1, %mul3A_21 : i32
      %mul3A_23 = arith.constant 200 : i32
      %mul3A_24 = arith.muli %scan3A_19, %mul3A_23 : i32
      %add3A = arith.addi %mul3A_22, %mul3A_24 : i32
      %dma_start3A = arith.constant 0 : i32
      %dma_start3A_25 = arith.constant 0 : i32
      %dma_start3A_26 = tpu.memref_slice %arg3[%arg0, %dma_start3A, %dma_start3A_25] : memref<2x160000x128xf32, #tpu.memory_space<hbm>> -> memref<1x160000x128xf32, #tpu.memory_space<hbm>>
      %dma_start3A_27 = tpu.memref_squeeze %dma_start3A_26 : memref<1x160000x128xf32, #tpu.memory_space<hbm>> -> memref<160000x128xf32, #tpu.memory_space<hbm>>
      %dma_start3A_28 = arith.constant 0 : i32
      %dma_start3A_29 = tpu.memref_slice %dma_start3A_27[%add3A, %dma_start3A_28] : memref<160000x128xf32, #tpu.memory_space<hbm>> -> memref<200x128xf32, #tpu.memory_space<hbm>>
      %dma_start3A_30 = arith.constant 0 : i32
      %dma_start3A_31 = arith.constant 0 : i32
      %dma_start3A_32 = tpu.memref_slice %arg3[%arg0, %dma_start3A_30, %dma_start3A_31] : memref<2x160000x128xf32, #tpu.memory_space<hbm>> -> memref<1x160000x128xf32, #tpu.memory_space<hbm>>
      %dma_start3A_33 = tpu.memref_squeeze %dma_start3A_32 : memref<1x160000x128xf32, #tpu.memory_space<hbm>> -> memref<160000x128xf32, #tpu.memory_space<hbm>>
      %dma_start3A_34 = arith.constant 0 : i32
      %dma_start3A_35 = tpu.memref_slice %dma_start3A_33[%add3A, %dma_start3A_34] : memref<160000x128xf32, #tpu.memory_space<hbm>> -> memref<200x128xf32, #tpu.memory_space<hbm>>
      tpu.enqueue_dma source(%dma_start3A_35 : memref<200x128xf32, #tpu.memory_space<hbm>>) target(%arg10 : memref<200x128xf32, #tpu.memory_space<vmem>>) target_semaphore(%arg11 : memref<!tpu.dma_semaphore, #tpu.memory_space<semaphore_mem>>)
      "tpu.region"() ({
        %run_scoped3A = tpu.sem_alloc : memref<!tpu.dma_semaphore, #tpu.memory_space<semaphore_mem>>
        %dma_start3A_48 = tpu.memref_slice %arg4[%add3A] : memref<160000xi32, #tpu.memory_space<hbm>> -> memref<200xi32, #tpu.memory_space<hbm>>
        %dma_start3A_49 = tpu.memref_slice %arg4[%add3A] : memref<160000xi32, #tpu.memory_space<hbm>> -> memref<200xi32, #tpu.memory_space<hbm>>
        tpu.enqueue_dma source(%dma_start3A_49 : memref<200xi32, #tpu.memory_space<hbm>>) target(%arg9 : memref<200xi32, #tpu.memory_space<vmem>>) target_semaphore(%run_scoped3A : memref<!tpu.dma_semaphore, #tpu.memory_space<semaphore_mem>>)
        %dma_wait3A_50 = tpu.memref_slice %arg4[%add3A] : memref<160000xi32, #tpu.memory_space<hbm>> -> memref<200xi32, #tpu.memory_space<hbm>>
        %dma_wait3A_51 = tpu.memref_slice %arg4[%add3A] : memref<160000xi32, #tpu.memory_space<hbm>> -> memref<200xi32, #tpu.memory_space<hbm>>
        tpu.wait_dma2 semaphore(%run_scoped3A : memref<!tpu.dma_semaphore, #tpu.memory_space<semaphore_mem>>) src(%dma_wait3A_51 : memref<200xi32, #tpu.memory_space<hbm>>) dst(%arg9 : memref<200xi32, #tpu.memory_space<vmem>>)
        tpu.yield
      }) : () -> ()
      %dma_wait3A = arith.constant 0 : i32
      %dma_wait3A_36 = arith.constant 0 : i32
      %dma_wait3A_37 = tpu.memref_slice %arg3[%arg0, %dma_wait3A, %dma_wait3A_36] : memref<2x160000x128xf32, #tpu.memory_space<hbm>> -> memref<1x160000x128xf32, #tpu.memory_space<hbm>>
      %dma_wait3A_38 = tpu.memref_squeeze %dma_wait3A_37 : memref<1x160000x128xf32, #tpu.memory_space<hbm>> -> memref<160000x128xf32, #tpu.memory_space<hbm>>
      %dma_wait3A_39 = arith.constant 0 : i32
      %dma_wait3A_40 = tpu.memref_slice %dma_wait3A_38[%add3A, %dma_wait3A_39] : memref<160000x128xf32, #tpu.memory_space<hbm>> -> memref<200x128xf32, #tpu.memory_space<hbm>>
      %dma_wait3A_41 = arith.constant 0 : i32
      %dma_wait3A_42 = arith.constant 0 : i32
      %dma_wait3A_43 = tpu.memref_slice %arg3[%arg0, %dma_wait3A_41, %dma_wait3A_42] : memref<2x160000x128xf32, #tpu.memory_space<hbm>> -> memref<1x160000x128xf32, #tpu.memory_space<hbm>>
      %dma_wait3A_44 = tpu.memref_squeeze %dma_wait3A_43 : memref<1x160000x128xf32, #tpu.memory_space<hbm>> -> memref<160000x128xf32, #tpu.memory_space<hbm>>
      %dma_wait3A_45 = arith.constant 0 : i32
      %dma_wait3A_46 = tpu.memref_slice %dma_wait3A_44[%add3A, %dma_wait3A_45] : memref<160000x128xf32, #tpu.memory_space<hbm>> -> memref<200x128xf32, #tpu.memory_space<hbm>>
      tpu.wait_dma2 semaphore(%arg11 : memref<!tpu.dma_semaphore, #tpu.memory_space<semaphore_mem>>) src(%dma_wait3A_46 : memref<200x128xf32, #tpu.memory_space<hbm>>) dst(%arg10 : memref<200x128xf32, #tpu.memory_space<vmem>>)
      "tpu.region"() ({
        %run_scoped3A = tpu.sem_alloc : memref<!tpu.dma_semaphore, #tpu.memory_space<semaphore_mem>>
        %dma_start3A_48 = arith.constant 0 : i32
        %dma_start3A_49 = arith.constant 0 : i32
        %dma_start3A_50 = tpu.memref_slice %arg8[%dma_start3A_48, %dma_start3A_49] : memref<10112x128xf32, #tpu.memory_space<vmem_shared>> -> memref<10112x128xf32, #tpu.memory_space<vmem_shared>>
        tpu.enqueue_indirect_dma source(%arg10 : memref<200x128xf32, #tpu.memory_space<vmem>>) target(%dma_start3A_50 : memref<10112x128xf32, #tpu.memory_space<vmem_shared>>) offsets(%arg9 : memref<200xi32, #tpu.memory_space<vmem>>) semaphore(%run_scoped3A : memref<!tpu.dma_semaphore, #tpu.memory_space<semaphore_mem>>) {add = true}
        %dma_wait3A_51 = arith.constant 0 : i32
        %dma_wait3A_52 = arith.constant 0 : i32
        %dma_wait3A_53 = tpu.memref_slice %arg8[%dma_wait3A_51, %dma_wait3A_52] : memref<10112x128xf32, #tpu.memory_space<vmem_shared>> -> memref<10112x128xf32, #tpu.memory_space<vmem_shared>>
        tpu.wait_indirect_dma semaphore(%run_scoped3A : memref<!tpu.dma_semaphore, #tpu.memory_space<semaphore_mem>>) src(%arg10 : memref<200x128xf32, #tpu.memory_space<vmem>>) dst(%dma_wait3A_53 : memref<10112x128xf32, #tpu.memory_space<vmem_shared>>)
        tpu.yield
      }) : () -> ()
      %scan3A_47 = arith.constant 0 : i32
      scf.yield %scan3A_47 : i32
    }
    %scan3A_16 = arith.constant 50 : i32
    %barrier3A_17 = arith.constant 0 : index
    tpu.barrier barrier_id(%barrier3A_17)
    "tpu.region"() ({
      %run_scoped3A = tpu.sem_alloc : memref<!tpu.dma_semaphore, #tpu.memory_space<semaphore_mem>>
      %dma_start3A = arith.constant 0 : i32
      %dma_start3A_19 = tpu.memref_slice %arg7[%arg0, %mul3A_0, %dma_start3A] : memref<2x10112x128xf32, #tpu.memory_space<hbm>> -> memref<1x632x128xf32, #tpu.memory_space<hbm>>
      %dma_start3A_20 = tpu.memref_squeeze %dma_start3A_19 : memref<1x632x128xf32, #tpu.memory_space<hbm>> -> memref<632x128xf32, #tpu.memory_space<hbm>>
      %dma_start3A_21 = arith.constant 0 : i32
      %dma_start3A_22 = tpu.memref_slice %arg8[%mul3A_0, %dma_start3A_21] : memref<10112x128xf32, #tpu.memory_space<vmem_shared>> -> memref<632x128xf32, #tpu.memory_space<vmem_shared>>
      tpu.enqueue_dma source(%dma_start3A_22 : memref<632x128xf32, #tpu.memory_space<vmem_shared>>) target(%dma_start3A_20 : memref<632x128xf32, #tpu.memory_space<hbm>>) target_semaphore(%run_scoped3A : memref<!tpu.dma_semaphore, #tpu.memory_space<semaphore_mem>>)
      %dma_wait3A = arith.constant 0 : i32
      %dma_wait3A_23 = tpu.memref_slice %arg7[%arg0, %mul3A_0, %dma_wait3A] : memref<2x10112x128xf32, #tpu.memory_space<hbm>> -> memref<1x632x128xf32, #tpu.memory_space<hbm>>
      %dma_wait3A_24 = tpu.memref_squeeze %dma_wait3A_23 : memref<1x632x128xf32, #tpu.memory_space<hbm>> -> memref<632x128xf32, #tpu.memory_space<hbm>>
      %dma_wait3A_25 = arith.constant 0 : i32
      %dma_wait3A_26 = tpu.memref_slice %arg8[%mul3A_0, %dma_wait3A_25] : memref<10112x128xf32, #tpu.memory_space<vmem_shared>> -> memref<632x128xf32, #tpu.memory_space<vmem_shared>>
      tpu.wait_dma2 semaphore(%run_scoped3A : memref<!tpu.dma_semaphore, #tpu.memory_space<semaphore_mem>>) src(%dma_wait3A_26 : memref<632x128xf32, #tpu.memory_space<vmem_shared>>) dst(%dma_wait3A_24 : memref<632x128xf32, #tpu.memory_space<hbm>>)
      tpu.yield
    }) : () -> ()
    %barrier3A_18 = arith.constant 0 : index
    tpu.barrier barrier_id(%barrier3A_18)
    return
  }
}

module attributes {stable_mosaic.version = 14 : i64} {
  func.func @_qkv_body(%arg0: i32, %arg1: memref<1000x256xf32, #tpu.memory_space<vmem>>, %arg2: memref<256x256xf32, #tpu.memory_space<vmem>>, %arg3: memref<256x256xf32, #tpu.memory_space<vmem>>, %arg4: memref<256x256xf32, #tpu.memory_space<vmem>>, %arg5: memref<3x256xf32, #tpu.memory_space<vmem>>, %arg6: memref<2x1000x128xf32, #tpu.memory_space<vmem>>, %arg7: memref<2x1000x128xf32, #tpu.memory_space<vmem>>, %arg8: memref<2x1000x128xf32, #tpu.memory_space<vmem>>) attributes {dimension_semantics = [#tpu.dimension_semantics<arbitrary>], iteration_bounds = array<i64: 10>, scalar_prefetch = 0 : i64, scratch_operands = 0 : i64, tpu.core_type = #tpu.core_type<tc>, window_params = [{transform_indices = @transform_0, window_bounds = array<i64: 1000, 256>}, {pipeline_mode = #tpu.pipeline_mode<synchronous>, transform_indices = @transform_1, window_bounds = array<i64: 256, 256>}, {pipeline_mode = #tpu.pipeline_mode<synchronous>, transform_indices = @transform_2, window_bounds = array<i64: 256, 256>}, {pipeline_mode = #tpu.pipeline_mode<synchronous>, transform_indices = @transform_3, window_bounds = array<i64: 256, 256>}, {pipeline_mode = #tpu.pipeline_mode<synchronous>, transform_indices = @transform_4, window_bounds = array<i64: 3, 256>}, {transform_indices = @transform_5, window_bounds = array<i64: 2, 1000, 128>}, {transform_indices = @transform_6, window_bounds = array<i64: 2, 1000, 128>}, {transform_indices = @transform_7, window_bounds = array<i64: 2, 1000, 128>}]} {
    %get3A = arith.constant 0 : index
    %get3A_0 = arith.constant 0 : index
    %get3A_1 = vector.load %arg1[%get3A, %get3A_0] : memref<1000x256xf32, #tpu.memory_space<vmem>>, vector<1000x256xf32>
    %get3A_2 = arith.constant 0 : index
    %get3A_3 = arith.constant 0 : index
    %get3A_4 = vector.load %arg5[%get3A_2, %get3A_3] : memref<3x256xf32, #tpu.memory_space<vmem>>, vector<3x256xf32>
    %get3A_5 = arith.constant 0 : index
    %get3A_6 = arith.constant 0 : index
    %get3A_7 = vector.load %arg2[%get3A_5, %get3A_6] : memref<256x256xf32, #tpu.memory_space<vmem>>, vector<256x256xf32>
    %dot_general3A = arith.constant dense<0.000000e+00> : vector<1000x256xf32>
    %dot_general3A_8 = tpu.matmul %get3A_1, %get3A_7, %dot_general3A {dimension_numbers = #tpu.dot_dimension_numbers<[1], [0], [0], [1], [0, 0, 1, 1], [], []>, precision = #tpu.contract_precision<fp32>, transpose_lhs_hint = false} : vector<1000x256xf32>, vector<256x256xf32>, vector<1000x256xf32> -> vector<1000x256xf32>
    %slice3A = vector.extract_strided_slice %get3A_4 {offsets = [0, 0], sizes = [1, 256], strides = [1, 1]} : vector<3x256xf32> to vector<1x256xf32>
    %add3A = vector.broadcast %slice3A : vector<1x256xf32> to vector<1000x256xf32>
    %add3A_9 = arith.addf %dot_general3A_8, %add3A : vector<1000x256xf32>
    %get3A_10 = arith.constant 0 : index
    %get3A_11 = arith.constant 0 : index
    %get3A_12 = vector.load %arg3[%get3A_10, %get3A_11] : memref<256x256xf32, #tpu.memory_space<vmem>>, vector<256x256xf32>
    %dot_general3A_13 = arith.constant dense<0.000000e+00> : vector<1000x256xf32>
    %dot_general3A_14 = tpu.matmul %get3A_1, %get3A_12, %dot_general3A_13 {dimension_numbers = #tpu.dot_dimension_numbers<[1], [0], [0], [1], [0, 0, 1, 1], [], []>, precision = #tpu.contract_precision<fp32>, transpose_lhs_hint = false} : vector<1000x256xf32>, vector<256x256xf32>, vector<1000x256xf32> -> vector<1000x256xf32>
    %slice3A_15 = vector.extract_strided_slice %get3A_4 {offsets = [1, 0], sizes = [1, 256], strides = [1, 1]} : vector<3x256xf32> to vector<1x256xf32>
    %add3A_16 = vector.broadcast %slice3A_15 : vector<1x256xf32> to vector<1000x256xf32>
    %add3A_17 = arith.addf %dot_general3A_14, %add3A_16 : vector<1000x256xf32>
    %get3A_18 = arith.constant 0 : index
    %get3A_19 = arith.constant 0 : index
    %get3A_20 = vector.load %arg4[%get3A_18, %get3A_19] : memref<256x256xf32, #tpu.memory_space<vmem>>, vector<256x256xf32>
    %dot_general3A_21 = arith.constant dense<0.000000e+00> : vector<1000x256xf32>
    %dot_general3A_22 = tpu.matmul %get3A_1, %get3A_20, %dot_general3A_21 {dimension_numbers = #tpu.dot_dimension_numbers<[1], [0], [0], [1], [0, 0, 1, 1], [], []>, precision = #tpu.contract_precision<fp32>, transpose_lhs_hint = false} : vector<1000x256xf32>, vector<256x256xf32>, vector<1000x256xf32> -> vector<1000x256xf32>
    %slice3A_23 = vector.extract_strided_slice %get3A_4 {offsets = [2, 0], sizes = [1, 256], strides = [1, 1]} : vector<3x256xf32> to vector<1x256xf32>
    %add3A_24 = vector.broadcast %slice3A_23 : vector<1x256xf32> to vector<1000x256xf32>
    %add3A_25 = arith.addf %dot_general3A_22, %add3A_24 : vector<1000x256xf32>
    %slice3A_26 = vector.extract_strided_slice %add3A_9 {offsets = [0, 0], sizes = [1000, 128], strides = [1, 1]} : vector<1000x256xf32> to vector<1000x128xf32>
    %swap3A = arith.constant 0 : index
    %swap3A_27 = arith.constant 0 : index
    %swap3A_28 = arith.constant 0 : index
    %swap3A_29 = vector.load %arg6[%swap3A, %swap3A_27, %swap3A_28] : memref<2x1000x128xf32, #tpu.memory_space<vmem>>, vector<1x1000x128xf32>
    %swap3A_30 = vector.shape_cast %swap3A_29 : vector<1x1000x128xf32> to vector<1000x128xf32>
    %swap3A_31 = vector.shape_cast %slice3A_26 : vector<1000x128xf32> to vector<1x1000x128xf32>
    tpu.vector_store %arg6[%swap3A, %swap3A_27, %swap3A_28], %swap3A_31 {strides = array<i32>} : memref<2x1000x128xf32, #tpu.memory_space<vmem>>, vector<1x1000x128xf32>,
    %slice3A_32 = vector.extract_strided_slice %add3A_9 {offsets = [0, 128], sizes = [1000, 128], strides = [1, 1]} : vector<1000x256xf32> to vector<1000x128xf32>
    %swap3A_33 = arith.constant 1 : index
    %swap3A_34 = arith.constant 0 : index
    %swap3A_35 = arith.constant 0 : index
    %swap3A_36 = vector.load %arg6[%swap3A_33, %swap3A_34, %swap3A_35] : memref<2x1000x128xf32, #tpu.memory_space<vmem>>, vector<1x1000x128xf32>
    %swap3A_37 = vector.shape_cast %swap3A_36 : vector<1x1000x128xf32> to vector<1000x128xf32>
    %swap3A_38 = vector.shape_cast %slice3A_32 : vector<1000x128xf32> to vector<1x1000x128xf32>
    tpu.vector_store %arg6[%swap3A_33, %swap3A_34, %swap3A_35], %swap3A_38 {strides = array<i32>} : memref<2x1000x128xf32, #tpu.memory_space<vmem>>, vector<1x1000x128xf32>,
    %slice3A_39 = vector.extract_strided_slice %add3A_17 {offsets = [0, 0], sizes = [1000, 128], strides = [1, 1]} : vector<1000x256xf32> to vector<1000x128xf32>
    %swap3A_40 = arith.constant 0 : index
    %swap3A_41 = arith.constant 0 : index
    %swap3A_42 = arith.constant 0 : index
    %swap3A_43 = vector.load %arg7[%swap3A_40, %swap3A_41, %swap3A_42] : memref<2x1000x128xf32, #tpu.memory_space<vmem>>, vector<1x1000x128xf32>
    %swap3A_44 = vector.shape_cast %swap3A_43 : vector<1x1000x128xf32> to vector<1000x128xf32>
    %swap3A_45 = vector.shape_cast %slice3A_39 : vector<1000x128xf32> to vector<1x1000x128xf32>
    tpu.vector_store %arg7[%swap3A_40, %swap3A_41, %swap3A_42], %swap3A_45 {strides = array<i32>} : memref<2x1000x128xf32, #tpu.memory_space<vmem>>, vector<1x1000x128xf32>,
    %slice3A_46 = vector.extract_strided_slice %add3A_17 {offsets = [0, 128], sizes = [1000, 128], strides = [1, 1]} : vector<1000x256xf32> to vector<1000x128xf32>
    %swap3A_47 = arith.constant 1 : index
    %swap3A_48 = arith.constant 0 : index
    %swap3A_49 = arith.constant 0 : index
    %swap3A_50 = vector.load %arg7[%swap3A_47, %swap3A_48, %swap3A_49] : memref<2x1000x128xf32, #tpu.memory_space<vmem>>, vector<1x1000x128xf32>
    %swap3A_51 = vector.shape_cast %swap3A_50 : vector<1x1000x128xf32> to vector<1000x128xf32>
    %swap3A_52 = vector.shape_cast %slice3A_46 : vector<1000x128xf32> to vector<1x1000x128xf32>
    tpu.vector_store %arg7[%swap3A_47, %swap3A_48, %swap3A_49], %swap3A_52 {strides = array<i32>} : memref<2x1000x128xf32, #tpu.memory_space<vmem>>, vector<1x1000x128xf32>,
    %slice3A_53 = vector.extract_strided_slice %add3A_25 {offsets = [0, 0], sizes = [1000, 128], strides = [1, 1]} : vector<1000x256xf32> to vector<1000x128xf32>
    %swap3A_54 = arith.constant 0 : index
    %swap3A_55 = arith.constant 0 : index
    %swap3A_56 = arith.constant 0 : index
    %swap3A_57 = vector.load %arg8[%swap3A_54, %swap3A_55, %swap3A_56] : memref<2x1000x128xf32, #tpu.memory_space<vmem>>, vector<1x1000x128xf32>
    %swap3A_58 = vector.shape_cast %swap3A_57 : vector<1x1000x128xf32> to vector<1000x128xf32>
    %swap3A_59 = vector.shape_cast %slice3A_53 : vector<1000x128xf32> to vector<1x1000x128xf32>
    tpu.vector_store %arg8[%swap3A_54, %swap3A_55, %swap3A_56], %swap3A_59 {strides = array<i32>} : memref<2x1000x128xf32, #tpu.memory_space<vmem>>, vector<1x1000x128xf32>,
    %slice3A_60 = vector.extract_strided_slice %add3A_25 {offsets = [0, 128], sizes = [1000, 128], strides = [1, 1]} : vector<1000x256xf32> to vector<1000x128xf32>
    %swap3A_61 = arith.constant 1 : index
    %swap3A_62 = arith.constant 0 : index
    %swap3A_63 = arith.constant 0 : index
    %swap3A_64 = vector.load %arg8[%swap3A_61, %swap3A_62, %swap3A_63] : memref<2x1000x128xf32, #tpu.memory_space<vmem>>, vector<1x1000x128xf32>
    %swap3A_65 = vector.shape_cast %swap3A_64 : vector<1x1000x128xf32> to vector<1000x128xf32>
    %swap3A_66 = vector.shape_cast %slice3A_60 : vector<1000x128xf32> to vector<1x1000x128xf32>
    tpu.vector_store %arg8[%swap3A_61, %swap3A_62, %swap3A_63], %swap3A_66 {strides = array<i32>} : memref<2x1000x128xf32, #tpu.memory_space<vmem>>, vector<1x1000x128xf32>,
    return
  }
  func.func @transform_0(%arg0: i32) -> (i32, i32) {
    %c0_i32 = arith.constant 0 : i32
    %c0_i32_0 = arith.constant 0 : i32
    return %arg0, %c0_i32 : i32, i32
  }
  func.func @transform_1(%arg0: i32) -> (i32, i32) {
    %c0_i32 = arith.constant 0 : i32
    %c0_i32_0 = arith.constant 0 : i32
    %c0_i32_1 = arith.constant 0 : i32
    return %c0_i32, %c0_i32_0 : i32, i32
  }
  func.func @transform_2(%arg0: i32) -> (i32, i32) {
    %c0_i32 = arith.constant 0 : i32
    %c0_i32_0 = arith.constant 0 : i32
    %c0_i32_1 = arith.constant 0 : i32
    return %c0_i32, %c0_i32_0 : i32, i32
  }
  func.func @transform_3(%arg0: i32) -> (i32, i32) {
    %c0_i32 = arith.constant 0 : i32
    %c0_i32_0 = arith.constant 0 : i32
    %c0_i32_1 = arith.constant 0 : i32
    return %c0_i32, %c0_i32_0 : i32, i32
  }
  func.func @transform_4(%arg0: i32) -> (i32, i32) {
    %c0_i32 = arith.constant 0 : i32
    %c0_i32_0 = arith.constant 0 : i32
    %c0_i32_1 = arith.constant 0 : i32
    return %c0_i32, %c0_i32_0 : i32, i32
  }
  func.func @transform_5(%arg0: i32) -> (i32, i32, i32) {
    %c0_i32 = arith.constant 0 : i32
    %c0_i32_0 = arith.constant 0 : i32
    %c0_i32_1 = arith.constant 0 : i32
    return %c0_i32, %arg0, %c0_i32_0 : i32, i32, i32
  }
  func.func @transform_6(%arg0: i32) -> (i32, i32, i32) {
    %c0_i32 = arith.constant 0 : i32
    %c0_i32_0 = arith.constant 0 : i32
    %c0_i32_1 = arith.constant 0 : i32
    return %c0_i32, %arg0, %c0_i32_0 : i32, i32, i32
  }
  func.func @transform_7(%arg0: i32) -> (i32, i32, i32) {
    %c0_i32 = arith.constant 0 : i32
    %c0_i32_0 = arith.constant 0 : i32
    %c0_i32_1 = arith.constant 0 : i32
    return %c0_i32, %arg0, %c0_i32_0 : i32, i32, i32
  }
}

module attributes {stable_mosaic.version = 14 : i64} {
  func.func @_score_body(%arg0: i32, %arg1: memref<2x2000x128xf32, #tpu.memory_space<vmem>>, %arg2: memref<2x2000x128xf32, #tpu.memory_space<vmem>>, %arg3: memref<128x16xbf16, #tpu.memory_space<vmem>>, %arg4: memref<128x16xbf16, #tpu.memory_space<vmem>>, %arg5: memref<16x256xbf16, #tpu.memory_space<vmem>>, %arg6: memref<2x2000x128xf32, #tpu.memory_space<vmem>>, %arg7: memref<2x2000x128xf32, #tpu.memory_space<vmem>>) attributes {dimension_semantics = [#tpu.dimension_semantics<arbitrary>], iteration_bounds = array<i64: 80>, scalar_prefetch = 0 : i64, scratch_operands = 0 : i64, tpu.core_type = #tpu.core_type<tc>, window_params = [{transform_indices = @transform_0, window_bounds = array<i64: 2, 2000, 128>}, {transform_indices = @transform_1, window_bounds = array<i64: 2, 2000, 128>}, {pipeline_mode = #tpu.pipeline_mode<synchronous>, transform_indices = @transform_2, window_bounds = array<i64: 128, 16>}, {pipeline_mode = #tpu.pipeline_mode<synchronous>, transform_indices = @transform_3, window_bounds = array<i64: 128, 16>}, {pipeline_mode = #tpu.pipeline_mode<synchronous>, transform_indices = @transform_4, window_bounds = array<i64: 16, 256>}, {transform_indices = @transform_5, window_bounds = array<i64: 2, 2000, 128>}, {transform_indices = @transform_6, window_bounds = array<i64: 2, 2000, 128>}]} {
    %get3A = arith.constant 0 : index
    %get3A_0 = arith.constant 0 : index
    %get3A_1 = arith.constant 0 : index
    %get3A_2 = vector.load %arg1[%get3A, %get3A_0, %get3A_1] : memref<2x2000x128xf32, #tpu.memory_space<vmem>>, vector<1x2000x128xf32>
    %get3A_3 = vector.shape_cast %get3A_2 : vector<1x2000x128xf32> to vector<2000x128xf32>
    %convert_element_type3A = arith.truncf %get3A_3 : vector<2000x128xf32> to vector<2000x128xbf16>
    %convert_element_type3A_4 = arith.extf %convert_element_type3A : vector<2000x128xbf16> to vector<2000x128xf32>
    %sub3A = arith.subf %get3A_3, %convert_element_type3A_4 : vector<2000x128xf32>
    %convert_element_type3A_5 = arith.truncf %sub3A : vector<2000x128xf32> to vector<2000x128xbf16>
    %get3A_6 = arith.constant 0 : index
    %get3A_7 = arith.constant 0 : index
    %get3A_8 = vector.load %arg3[%get3A_6, %get3A_7] : memref<128x16xbf16, #tpu.memory_space<vmem>>, vector<128x16xbf16>
    %dot_general3A = arith.constant dense<0.000000e+00> : vector<2000x16xf32>
    %dot_general3A_9 = tpu.matmul %convert_element_type3A, %get3A_8, %dot_general3A {dimension_numbers = #tpu.dot_dimension_numbers<[1], [0], [0], [1], [0, 0, 1, 1], [], []>, transpose_lhs_hint = false} : vector<2000x128xbf16>, vector<128x16xbf16>, vector<2000x16xf32> -> vector<2000x16xf32>
    %dot_general3A_10 = arith.constant dense<0.000000e+00> : vector<2000x16xf32>
    %dot_general3A_11 = tpu.matmul %convert_element_type3A_5, %get3A_8, %dot_general3A_10 {dimension_numbers = #tpu.dot_dimension_numbers<[1], [0], [0], [1], [0, 0, 1, 1], [], []>, transpose_lhs_hint = false} : vector<2000x128xbf16>, vector<128x16xbf16>, vector<2000x16xf32> -> vector<2000x16xf32>
    %add3A = arith.addf %dot_general3A_9, %dot_general3A_11 : vector<2000x16xf32>
    %get3A_12 = arith.constant 1 : index
    %get3A_13 = arith.constant 0 : index
    %get3A_14 = arith.constant 0 : index
    %get3A_15 = vector.load %arg1[%get3A_12, %get3A_13, %get3A_14] : memref<2x2000x128xf32, #tpu.memory_space<vmem>>, vector<1x2000x128xf32>
    %get3A_16 = vector.shape_cast %get3A_15 : vector<1x2000x128xf32> to vector<2000x128xf32>
    %convert_element_type3A_17 = arith.truncf %get3A_16 : vector<2000x128xf32> to vector<2000x128xbf16>
    %convert_element_type3A_18 = arith.extf %convert_element_type3A_17 : vector<2000x128xbf16> to vector<2000x128xf32>
    %sub3A_19 = arith.subf %get3A_16, %convert_element_type3A_18 : vector<2000x128xf32>
    %convert_element_type3A_20 = arith.truncf %sub3A_19 : vector<2000x128xf32> to vector<2000x128xbf16>
    %get3A_21 = arith.constant 0 : index
    %get3A_22 = arith.constant 0 : index
    %get3A_23 = vector.load %arg4[%get3A_21, %get3A_22] : memref<128x16xbf16, #tpu.memory_space<vmem>>, vector<128x16xbf16>
    %dot_general3A_24 = arith.constant dense<0.000000e+00> : vector<2000x16xf32>
    %dot_general3A_25 = tpu.matmul %convert_element_type3A_17, %get3A_23, %dot_general3A_24 {dimension_numbers = #tpu.dot_dimension_numbers<[1], [0], [0], [1], [0, 0, 1, 1], [], []>, transpose_lhs_hint = false} : vector<2000x128xbf16>, vector<128x16xbf16>, vector<2000x16xf32> -> vector<2000x16xf32>
    %dot_general3A_26 = arith.constant dense<0.000000e+00> : vector<2000x16xf32>
    %dot_general3A_27 = tpu.matmul %convert_element_type3A_20, %get3A_23, %dot_general3A_26 {dimension_numbers = #tpu.dot_dimension_numbers<[1], [0], [0], [1], [0, 0, 1, 1], [], []>, transpose_lhs_hint = false} : vector<2000x128xbf16>, vector<128x16xbf16>, vector<2000x16xf32> -> vector<2000x16xf32>
    %add3A_28 = arith.addf %dot_general3A_25, %dot_general3A_27 : vector<2000x16xf32>
    %add3A_29 = arith.addf %add3A, %add3A_28 : vector<2000x16xf32>
    %mul3A = arith.constant 0.176776692 : f32
    %mul3A_30 = vector.broadcast %mul3A : f32 to vector<2000x16xf32>
    %mul3A_31 = arith.mulf %add3A_29, %mul3A_30 : vector<2000x16xf32>
    %exp3A = math.exp %mul3A_31 : vector<2000x16xf32>
    %convert_element_type3A_32 = arith.truncf %exp3A : vector<2000x16xf32> to vector<2000x16xbf16>
    %convert_element_type3A_33 = arith.extf %convert_element_type3A_32 : vector<2000x16xbf16> to vector<2000x16xf32>
    %sub3A_34 = arith.subf %exp3A, %convert_element_type3A_33 : vector<2000x16xf32>
    %convert_element_type3A_35 = arith.truncf %sub3A_34 : vector<2000x16xf32> to vector<2000x16xbf16>
    %get3A_36 = arith.constant 0 : index
    %get3A_37 = arith.constant 0 : index
    %get3A_38 = vector.load %arg5[%get3A_36, %get3A_37] : memref<16x256xbf16, #tpu.memory_space<vmem>>, vector<16x256xbf16>
    %dot_general3A_39 = arith.constant dense<0.000000e+00> : vector<2000x256xf32>
    %dot_general3A_40 = tpu.matmul %convert_element_type3A_32, %get3A_38, %dot_general3A_39 {dimension_numbers = #tpu.dot_dimension_numbers<[1], [0], [0], [1], [0, 0, 1, 1], [], []>, transpose_lhs_hint = false} : vector<2000x16xbf16>, vector<16x256xbf16>, vector<2000x256xf32> -> vector<2000x256xf32>
    %dot_general3A_41 = arith.constant dense<0.000000e+00> : vector<2000x256xf32>
    %dot_general3A_42 = tpu.matmul %convert_element_type3A_35, %get3A_38, %dot_general3A_41 {dimension_numbers = #tpu.dot_dimension_numbers<[1], [0], [0], [1], [0, 0, 1, 1], [], []>, transpose_lhs_hint = false} : vector<2000x16xbf16>, vector<16x256xbf16>, vector<2000x256xf32> -> vector<2000x256xf32>
    %add3A_43 = arith.addf %dot_general3A_40, %dot_general3A_42 : vector<2000x256xf32>
    %slice3A = vector.extract_strided_slice %add3A_43 {offsets = [0, 0], sizes = [2000, 128], strides = [1, 1]} : vector<2000x256xf32> to vector<2000x128xf32>
    %slice3A_44 = vector.extract_strided_slice %add3A_43 {offsets = [0, 128], sizes = [2000, 128], strides = [1, 1]} : vector<2000x256xf32> to vector<2000x128xf32>
    %get3A_45 = arith.constant 0 : index
    %get3A_46 = arith.constant 0 : index
    %get3A_47 = arith.constant 0 : index
    %get3A_48 = vector.load %arg2[%get3A_45, %get3A_46, %get3A_47] : memref<2x2000x128xf32, #tpu.memory_space<vmem>>, vector<1x2000x128xf32>
    %get3A_49 = vector.shape_cast %get3A_48 : vector<1x2000x128xf32> to vector<2000x128xf32>
    %mul3A_50 = arith.mulf %slice3A, %get3A_49 : vector<2000x128xf32>
    %swap3A = arith.constant 0 : index
    %swap3A_51 = arith.constant 0 : index
    %swap3A_52 = arith.constant 0 : index
    %swap3A_53 = vector.load %arg6[%swap3A, %swap3A_51, %swap3A_52] : memref<2x2000x128xf32, #tpu.memory_space<vmem>>, vector<1x2000x128xf32>
    %swap3A_54 = vector.shape_cast %swap3A_53 : vector<1x2000x128xf32> to vector<2000x128xf32>
    %swap3A_55 = vector.shape_cast %mul3A_50 : vector<2000x128xf32> to vector<1x2000x128xf32>
    tpu.vector_store %arg6[%swap3A, %swap3A_51, %swap3A_52], %swap3A_55 {strides = array<i32>} : memref<2x2000x128xf32, #tpu.memory_space<vmem>>, vector<1x2000x128xf32>,
    %get3A_56 = arith.constant 1 : index
    %get3A_57 = arith.constant 0 : index
    %get3A_58 = arith.constant 0 : index
    %get3A_59 = vector.load %arg2[%get3A_56, %get3A_57, %get3A_58] : memref<2x2000x128xf32, #tpu.memory_space<vmem>>, vector<1x2000x128xf32>
    %get3A_60 = vector.shape_cast %get3A_59 : vector<1x2000x128xf32> to vector<2000x128xf32>
    %mul3A_61 = arith.mulf %slice3A_44, %get3A_60 : vector<2000x128xf32>
    %swap3A_62 = arith.constant 1 : index
    %swap3A_63 = arith.constant 0 : index
    %swap3A_64 = arith.constant 0 : index
    %swap3A_65 = vector.load %arg6[%swap3A_62, %swap3A_63, %swap3A_64] : memref<2x2000x128xf32, #tpu.memory_space<vmem>>, vector<1x2000x128xf32>
    %swap3A_66 = vector.shape_cast %swap3A_65 : vector<1x2000x128xf32> to vector<2000x128xf32>
    %swap3A_67 = vector.shape_cast %mul3A_61 : vector<2000x128xf32> to vector<1x2000x128xf32>
    tpu.vector_store %arg6[%swap3A_62, %swap3A_63, %swap3A_64], %swap3A_67 {strides = array<i32>} : memref<2x2000x128xf32, #tpu.memory_space<vmem>>, vector<1x2000x128xf32>,
    %swap3A_68 = arith.constant 0 : index
    %swap3A_69 = arith.constant 0 : index
    %swap3A_70 = arith.constant 0 : index
    %swap3A_71 = vector.load %arg7[%swap3A_68, %swap3A_69, %swap3A_70] : memref<2x2000x128xf32, #tpu.memory_space<vmem>>, vector<1x2000x128xf32>
    %swap3A_72 = vector.shape_cast %swap3A_71 : vector<1x2000x128xf32> to vector<2000x128xf32>
    %swap3A_73 = vector.shape_cast %slice3A : vector<2000x128xf32> to vector<1x2000x128xf32>
    tpu.vector_store %arg7[%swap3A_68, %swap3A_69, %swap3A_70], %swap3A_73 {strides = array<i32>} : memref<2x2000x128xf32, #tpu.memory_space<vmem>>, vector<1x2000x128xf32>,
    %swap3A_74 = arith.constant 1 : index
    %swap3A_75 = arith.constant 0 : index
    %swap3A_76 = arith.constant 0 : index
    %swap3A_77 = vector.load %arg7[%swap3A_74, %swap3A_75, %swap3A_76] : memref<2x2000x128xf32, #tpu.memory_space<vmem>>, vector<1x2000x128xf32>
    %swap3A_78 = vector.shape_cast %swap3A_77 : vector<1x2000x128xf32> to vector<2000x128xf32>
    %swap3A_79 = vector.shape_cast %slice3A_44 : vector<2000x128xf32> to vector<1x2000x128xf32>
    tpu.vector_store %arg7[%swap3A_74, %swap3A_75, %swap3A_76], %swap3A_79 {strides = array<i32>} : memref<2x2000x128xf32, #tpu.memory_space<vmem>>, vector<1x2000x128xf32>,
    return
  }
  func.func @transform_0(%arg0: i32) -> (i32, i32, i32) {
    %c0_i32 = arith.constant 0 : i32
    %c0_i32_0 = arith.constant 0 : i32
    %c0_i32_1 = arith.constant 0 : i32
    return %c0_i32, %arg0, %c0_i32_0 : i32, i32, i32
  }
  func.func @transform_1(%arg0: i32) -> (i32, i32, i32) {
    %c0_i32 = arith.constant 0 : i32
    %c0_i32_0 = arith.constant 0 : i32
    %c0_i32_1 = arith.constant 0 : i32
    return %c0_i32, %arg0, %c0_i32_0 : i32, i32, i32
  }
  func.func @transform_2(%arg0: i32) -> (i32, i32) {
    %c0_i32 = arith.constant 0 : i32
    %c0_i32_0 = arith.constant 0 : i32
    %c0_i32_1 = arith.constant 0 : i32
    return %c0_i32, %c0_i32_0 : i32, i32
  }
  func.func @transform_3(%arg0: i32) -> (i32, i32) {
    %c0_i32 = arith.constant 0 : i32
    %c0_i32_0 = arith.constant 0 : i32
    %c0_i32_1 = arith.constant 0 : i32
    return %c0_i32, %c0_i32_0 : i32, i32
  }
  func.func @transform_4(%arg0: i32) -> (i32, i32) {
    %c0_i32 = arith.constant 0 : i32
    %c0_i32_0 = arith.constant 0 : i32
    %c0_i32_1 = arith.constant 0 : i32
    return %c0_i32, %c0_i32_0 : i32, i32
  }
  func.func @transform_5(%arg0: i32) -> (i32, i32, i32) {
    %c0_i32 = arith.constant 0 : i32
    %c0_i32_0 = arith.constant 0 : i32
    %c0_i32_1 = arith.constant 0 : i32
    return %c0_i32, %arg0, %c0_i32_0 : i32, i32, i32
  }
  func.func @transform_6(%arg0: i32) -> (i32, i32, i32) {
    %c0_i32 = arith.constant 0 : i32
    %c0_i32_0 = arith.constant 0 : i32
    %c0_i32_1 = arith.constant 0 : i32
    return %c0_i32, %arg0, %c0_i32_0 : i32, i32, i32
  }
}

module attributes {stable_mosaic.version = 14 : i64} {
  func.func @_final_body(%arg0: i32, %arg1: memref<2x1000x128xf32, #tpu.memory_space<vmem>>, %arg2: memref<2x1000x128xf32, #tpu.memory_space<vmem>>, %arg3: memref<128x256xf32, #tpu.memory_space<vmem>>, %arg4: memref<128x256xf32, #tpu.memory_space<vmem>>, %arg5: memref<1x256xf32, #tpu.memory_space<vmem>>, %arg6: memref<1000x256xf32, #tpu.memory_space<vmem>>) attributes {dimension_semantics = [#tpu.dimension_semantics<arbitrary>], iteration_bounds = array<i64: 10>, scalar_prefetch = 0 : i64, scratch_operands = 0 : i64, tpu.core_type = #tpu.core_type<tc>, window_params = [{transform_indices = @transform_0, window_bounds = array<i64: 2, 1000, 128>}, {transform_indices = @transform_1, window_bounds = array<i64: 2, 1000, 128>}, {pipeline_mode = #tpu.pipeline_mode<synchronous>, transform_indices = @transform_2, window_bounds = array<i64: 128, 256>}, {pipeline_mode = #tpu.pipeline_mode<synchronous>, transform_indices = @transform_3, window_bounds = array<i64: 128, 256>}, {pipeline_mode = #tpu.pipeline_mode<synchronous>, transform_indices = @transform_4, window_bounds = array<i64: 1, 256>}, {transform_indices = @transform_5, window_bounds = array<i64: 1000, 256>}]} {
    %get3A = arith.constant 0 : index
    %get3A_0 = arith.constant 0 : index
    %get3A_1 = arith.constant 0 : index
    %get3A_2 = vector.load %arg1[%get3A, %get3A_0, %get3A_1] : memref<2x1000x128xf32, #tpu.memory_space<vmem>>, vector<1x1000x128xf32>
    %get3A_3 = vector.shape_cast %get3A_2 : vector<1x1000x128xf32> to vector<1000x128xf32>
    %get3A_4 = arith.constant 0 : index
    %get3A_5 = arith.constant 0 : index
    %get3A_6 = arith.constant 0 : index
    %get3A_7 = vector.load %arg2[%get3A_4, %get3A_5, %get3A_6] : memref<2x1000x128xf32, #tpu.memory_space<vmem>>, vector<1x1000x128xf32>
    %get3A_8 = vector.shape_cast %get3A_7 : vector<1x1000x128xf32> to vector<1000x128xf32>
    %add3A = arith.constant 1.000000e-16 : f32
    %add3A_9 = vector.broadcast %add3A : f32 to vector<1000x128xf32>
    %add3A_10 = arith.addf %get3A_8, %add3A_9 : vector<1000x128xf32>
    %div3A = arith.divf %get3A_3, %add3A_10 : vector<1000x128xf32>
    %get3A_11 = arith.constant 1 : index
    %get3A_12 = arith.constant 0 : index
    %get3A_13 = arith.constant 0 : index
    %get3A_14 = vector.load %arg1[%get3A_11, %get3A_12, %get3A_13] : memref<2x1000x128xf32, #tpu.memory_space<vmem>>, vector<1x1000x128xf32>
    %get3A_15 = vector.shape_cast %get3A_14 : vector<1x1000x128xf32> to vector<1000x128xf32>
    %get3A_16 = arith.constant 1 : index
    %get3A_17 = arith.constant 0 : index
    %get3A_18 = arith.constant 0 : index
    %get3A_19 = vector.load %arg2[%get3A_16, %get3A_17, %get3A_18] : memref<2x1000x128xf32, #tpu.memory_space<vmem>>, vector<1x1000x128xf32>
    %get3A_20 = vector.shape_cast %get3A_19 : vector<1x1000x128xf32> to vector<1000x128xf32>
    %add3A_21 = arith.constant 1.000000e-16 : f32
    %add3A_22 = vector.broadcast %add3A_21 : f32 to vector<1000x128xf32>
    %add3A_23 = arith.addf %get3A_20, %add3A_22 : vector<1000x128xf32>
    %div3A_24 = arith.divf %get3A_15, %add3A_23 : vector<1000x128xf32>
    %get3A_25 = arith.constant 0 : index
    %get3A_26 = arith.constant 0 : index
    %get3A_27 = vector.load %arg3[%get3A_25, %get3A_26] : memref<128x256xf32, #tpu.memory_space<vmem>>, vector<128x256xf32>
    %dot_general3A = arith.constant dense<0.000000e+00> : vector<1000x256xf32>
    %dot_general3A_28 = tpu.matmul %div3A, %get3A_27, %dot_general3A {dimension_numbers = #tpu.dot_dimension_numbers<[1], [0], [0], [1], [0, 0, 1, 1], [], []>, precision = #tpu.contract_precision<fp32>, transpose_lhs_hint = false} : vector<1000x128xf32>, vector<128x256xf32>, vector<1000x256xf32> -> vector<1000x256xf32>
    %get3A_29 = arith.constant 0 : index
    %get3A_30 = arith.constant 0 : index
    %get3A_31 = vector.load %arg4[%get3A_29, %get3A_30] : memref<128x256xf32, #tpu.memory_space<vmem>>, vector<128x256xf32>
    %dot_general3A_32 = arith.constant dense<0.000000e+00> : vector<1000x256xf32>
    %dot_general3A_33 = tpu.matmul %div3A_24, %get3A_31, %dot_general3A_32 {dimension_numbers = #tpu.dot_dimension_numbers<[1], [0], [0], [1], [0, 0, 1, 1], [], []>, precision = #tpu.contract_precision<fp32>, transpose_lhs_hint = false} : vector<1000x128xf32>, vector<128x256xf32>, vector<1000x256xf32> -> vector<1000x256xf32>
    %add3A_34 = arith.addf %dot_general3A_28, %dot_general3A_33 : vector<1000x256xf32>
    %get3A_35 = arith.constant 0 : index
    %get3A_36 = arith.constant 0 : index
    %get3A_37 = vector.load %arg5[%get3A_35, %get3A_36] : memref<1x256xf32, #tpu.memory_space<vmem>>, vector<1x256xf32>
    %add3A_38 = vector.broadcast %get3A_37 : vector<1x256xf32> to vector<1000x256xf32>
    %add3A_39 = arith.addf %add3A_34, %add3A_38 : vector<1000x256xf32>
    %swap3A = arith.constant 0 : index
    %swap3A_40 = arith.constant 0 : index
    %swap3A_41 = vector.load %arg6[%swap3A, %swap3A_40] : memref<1000x256xf32, #tpu.memory_space<vmem>>, vector<1000x256xf32>
    tpu.vector_store %arg6[%swap3A, %swap3A_40], %add3A_39 {strides = array<i32>} : memref<1000x256xf32, #tpu.memory_space<vmem>>, vector<1000x256xf32>,
    return
  }
  func.func @transform_0(%arg0: i32) -> (i32, i32, i32) {
    %c0_i32 = arith.constant 0 : i32
    %c0_i32_0 = arith.constant 0 : i32
    %c0_i32_1 = arith.constant 0 : i32
    return %c0_i32, %arg0, %c0_i32_0 : i32, i32, i32
  }
  func.func @transform_1(%arg0: i32) -> (i32, i32, i32) {
    %c0_i32 = arith.constant 0 : i32
    %c0_i32_0 = arith.constant 0 : i32
    %c0_i32_1 = arith.constant 0 : i32
    return %c0_i32, %arg0, %c0_i32_0 : i32, i32, i32
  }
  func.func @transform_2(%arg0: i32) -> (i32, i32) {
    %c0_i32 = arith.constant 0 : i32
    %c0_i32_0 = arith.constant 0 : i32
    %c0_i32_1 = arith.constant 0 : i32
    return %c0_i32, %c0_i32_0 : i32, i32
  }
  func.func @transform_3(%arg0: i32) -> (i32, i32) {
    %c0_i32 = arith.constant 0 : i32
    %c0_i32_0 = arith.constant 0 : i32
    %c0_i32_1 = arith.constant 0 : i32
    return %c0_i32, %c0_i32_0 : i32, i32
  }
  func.func @transform_4(%arg0: i32) -> (i32, i32) {
    %c0_i32 = arith.constant 0 : i32
    %c0_i32_0 = arith.constant 0 : i32
    %c0_i32_1 = arith.constant 0 : i32
    return %c0_i32, %c0_i32_0 : i32, i32
  }
  func.func @transform_5(%arg0: i32) -> (i32, i32) {
    %c0_i32 = arith.constant 0 : i32
    %c0_i32_0 = arith.constant 0 : i32
    return %arg0, %c0_i32 : i32, i32
  }
}

</mosaic_0001>

<sc_bundles>
// kernel: kernel.10.cloned.1.call-start
scs
__scs_entry_jumppad:
0x0: {  	(pc) =	sbr.rel $0x88, $3  }
0x1: {  	(tag) =	ssettag $0x0;
	lr =	simm.s32 $0x1  }
0x2: {  	[smem:$0x3F97] =	sst lr;
	_ =	strace $0xD0000000  }
0x3: {  	_ = 	snop  }
0x4: {  	_ = 	snop  }
0x5: {  	_ = 	snop  }
0x6: {  	_ = 	snop  }
0x7: {  	_ = 	snop  }
__scs_overlays_trampoline_lowered:
0x8: {  	[smem:$0x3FA6] =	sst s0  }
0x9: {  	[smem:$0x3FA7] =	sst s1  }
0xa: {  	[smem:$0x3FA8] =	sst s2  }
0xb: {  	[smem:$0x3FA9] =	sst s3  }
0xc: {  	[smem:$0x3FAA] =	sst s4  }
0xd: {  	[smem:$0x3FAB] =	sst s5  }
0xe: {  	[smem:$0x3FAC] =	sst s6  }
0xf: {  	[smem:$0x3FAD] =	sst s7  }
0x10: {  	[smem:$0x3FAE] =	sst s8  }
0x11: {  	[smem:$0x3FAF] =	sst s9;
	s0 =	simm.s32 @!p0 $0x0  }
0x12: {  	s1 =	sld [smem:$0x3F95];
	s0 =	simm.s32 @p0 $0x1  }
0x13: {  	[smem:$0x3FB0] =	sst s0;
	s0 =	simm.s32 @!p1 $0x0  }
0x14: {  	s2 =	sld [smem:$0x3F94];
	s0 =	simm.s32 @p1 $0x1  }
0x15: {  	[smem:$0x3FB1] =	sst s0;
	s0 =	simm.s32 @!p2 $0x0  }
0x16: {  	s3 =	sld [smem:$0x3FDB];
	s0 =	simm.s32 @p2 $0x1  }
0x17: {  	s4 =	simm.s32 $0x1BF5;
	[smem:$0x3FB3] =	sst s0  }
0x18: {  	s0 =	sld [smem:$0x3F96];
	_ =	swait.ge [sflag:s4], $0x0  }
0x19: {  	s7 =	sld [smem:$0x3F97]  }
0x1a: {  	s8 =	sadd.s32 $0xFFFFE003, lr  }
0x1b: {  	s9 =	sadd.s32 $0xFFFFFEF7, lr;
	s5 =	simm.s32 $0xFFFFFFFF;
	p2 =	slt.u32 s8, $0xFFFFF086  }
0x1c: {  	p1 =	slt.u32 s9, $0xF7A;
	s5 =	simm.s32 @!p2 $0x0  }
0x1d: {  	s5 =	simm.s32 @p1 $0x1;
	p0 =	seq.s32 s7, s2  }
0x1e: {  	s7 =	smul.u32 @!p0 $0xF7A, s2;
	p2 =	seq.s32 @!p0 s5, $0x0  }
0x1f: {  	s9 =	smul.u32 $0xF7A, s1;
	s8 =	simm.s32 @!p0 $0x1BF5;
	p2 =	por !p2, p0  }
0x20: {  	[sflag:s8] =	ssyncset.s32 @!p0 $0xFFFFF086;
	s6 =	sadd.s32 @!p0 s3, s7;
	s7 =	simm.s32 @!p0 $0x108  }
0x21: {  	s3 =	sadd.s32 s3, s9;
	s6 =	sadd.s32 @!p0 $0x88, s6;
	s7 =	simm.s32 @p2 $0x1082  }
0x22: {  	[simem:s7], [sflag:s8] =	dma.local @!p0 [hbm:s6], $0xF7A  }
0x23: {  	s9 =	sor.u32 $0xD0000000, s2;
	s6 =	simm.s32 $0x108;
	_ =	swait.ge @!p0 [sflag:s8], $0x0  }
0x24: {  	s3 =	sadd.s32 $0x88, s3;
	s6 =	simm.s32 @!p1 $0x1082;
	[sflag:s4] =	ssyncset.s32 $0xFFFFF086  }
0x25: {  	[simem:s6], [sflag:s4] =	dma.local [hbm:s3], $0xF7A  }
0x26: {  	[smem:$0x3F97] =	sst s1;
	(tag) =	ssettag s2;
	_ =	strace s9  }
0x27: {  	s1 =	sld [smem:$0x3FA7]  }
0x28: {  	s2 =	sld [smem:$0x3FA8]  }
0x29: {  	s4 =	sld [smem:$0x3FAA]  }
0x2a: {  	p0 =	seq.s32 s5, $0x0;
	s5 =	sld [smem:$0x3FAB]  }
0x2b: {  	s6 =	sld [smem:$0x3FAC]  }
0x2c: {  	s7 =	sld [smem:$0x3FAD]  }
0x2d: {  	s3 =	simm.s32 $0x108;
	s8 =	sld [smem:$0x3FAE]  }
0x2e: {  	s3 =	simm.s32 @!p0 $0x1082;
	s9 =	sld [smem:$0x3FAF]  }
0x2f: {  	lr =	sadd.s32 s0, s3;
	s0 =	sld [smem:$0x3FA6]  }
0x30: {  	s3 =	sld [smem:$0x3FA9]  }
0x31: {  	[smem:$0x3FB2] =	sst s10  }
0x32: {  	s10 =	sld [smem:$0x3FB0];
	_ =	sdelay $0x3  }
0x33: {  	p0 =	seq.s32 s10, $0x1;
	s10 =	sld [smem:$0x3FB2];
	_ =	sdelay $0x3  }
0x34: {  	[smem:$0x3FB2] =	sst s10  }
0x35: {  	s10 =	sld [smem:$0x3FB1];
	_ =	sdelay $0x3  }
0x36: {  	p1 =	seq.s32 s10, $0x1;
	s10 =	sld [smem:$0x3FB2];
	_ =	sdelay $0x3  }
0x37: {  	[smem:$0x3FB2] =	sst s10  }
0x38: {  	s10 =	sld [smem:$0x3FB3]  }
0x39: {  	_ = 	snop;
	(pc) =	sbr.ind lr, $3  }
0x3a: {  	_ = 	snop  }
0x3b: {  	_ = 	snop  }
0x3c: {  	p2 =	seq.s32 s10, $0x1;
	s10 =	sld [smem:$0x3FB2]  }
0x3d: {  	_ =	shalt  }
0x3e: {  	_ =	shalt  }
0x3f: {  	_ =	shalt  }
0x40: {  	_ =	shalt  }
0x41: {  	_ =	shalt  }
0x42: {  	_ =	shalt  }
0x43: {  	_ =	shalt  }
0x44: {  	_ =	shalt  }
0x45: {  	_ =	shalt  }
0x46: {  	_ =	shalt  }
0x47: {  	_ =	shalt  }
0x48: {  	_ =	shalt  }
0x49: {  	_ =	shalt  }
0x4a: {  	_ =	shalt  }
0x4b: {  	_ =	shalt  }
0x4c: {  	_ =	shalt  }
0x4d: {  	_ =	shalt  }
0x4e: {  	_ =	shalt  }
0x4f: {  	_ =	shalt  }
0x50: {  	_ =	shalt  }
0x51: {  	_ =	shalt  }
0x52: {  	_ =	shalt  }
0x53: {  	_ =	shalt  }
0x54: {  	_ =	shalt  }
0x55: {  	_ =	shalt  }
0x56: {  	_ =	shalt  }
0x57: {  	_ =	shalt  }
0x58: {  	_ =	shalt  }
0x59: {  	_ =	shalt  }
0x5a: {  	_ =	shalt  }
0x5b: {  	_ =	shalt  }
0x5c: {  	_ =	shalt  }
0x5d: {  	_ =	shalt  }
0x5e: {  	_ =	shalt  }
0x5f: {  	_ =	shalt  }
0x60: {  	_ =	shalt  }
0x61: {  	_ =	shalt  }
0x62: {  	_ =	shalt  }
0x63: {  	_ =	shalt  }
0x64: {  	_ =	shalt  }
0x65: {  	_ =	shalt  }
0x66: {  	_ =	shalt  }
0x67: {  	_ =	shalt  }
0x68: {  	_ =	shalt  }
0x69: {  	_ =	shalt  }
0x6a: {  	_ =	shalt  }
0x6b: {  	_ =	shalt  }
0x6c: {  	_ =	shalt  }
0x6d: {  	_ =	shalt  }
0x6e: {  	_ =	shalt  }
0x6f: {  	_ =	shalt  }
0x70: {  	_ =	shalt  }
0x71: {  	_ =	shalt  }
0x72: {  	_ =	shalt  }
0x73: {  	_ =	shalt  }
0x74: {  	_ =	shalt  }
0x75: {  	_ =	shalt  }
0x76: {  	_ =	shalt  }
0x77: {  	_ =	shalt  }
0x78: {  	_ =	shalt  }
0x79: {  	_ =	shalt  }
0x7a: {  	_ =	shalt  }
0x7b: {  	_ =	shalt  }
0x7c: {  	_ =	shalt  }
0x7d: {  	_ =	shalt  }
0x7e: {  	_ =	shalt  }
0x7f: {  	_ =	shalt  }
0x80: {  	_ =	shalt  }
0x81: {  	_ =	shalt  }
0x82: {  	_ =	shalt  }
0x83: {  	_ =	shalt  }
0x84: {  	_ =	shalt  }
0x85: {  	_ =	shalt  }
0x86: {  	_ =	shalt  }
0x87: {  	_ =	shalt  }
.Lfunc_end0:
.L_simem_size_0:
called_computation.1_lowered:
.L_overlay_start_0:
0x88: {  	s2 =	sld [smem:$0x3FD9]  }
0x89: {  	s3 =	sld [smem:$0x3FFE];
	_ =	sdelay $0x1  }
0x8a: {  	s1 =	srdreg.scid  }
0x8b: {  	s0 =	sand.u32 $0x1, s1  }
0x8c: {  	s17 =	sshll.u32 s0, $0xA;
	s2 =	sadd.s32 s3, s2  }
0x8d: {  	s2 =	sadd.s32 s2, s17  }
0x8e: {  	[smem:$0x3FBE] =	sst s2  }
0x8f: {  	_ = 	snop  }
0x90: {  	s2 =	sld [smem:$0x3FD0];
	(tm) =	ssettm $0x1  }
0x91: {  	s18 =	sld [smem:$0x3FFB];
	_ =	sdelay $0x3  }
0x92: {  	_ =	strace s18  }
0x93: {  	s3 =	sld [smem:$0x3FFC];
	_ =	sdelay $0x3  }
0x94: {  	_ =	strace s3  }
0x95: {  	s3 =	sld [smem:$0x3FFD];
	_ =	sdelay $0x3  }
0x96: {  	_ =	strace s3  }
0x97: {  	_ =	strace $0x8FFFFFFF  }
0x98: {  	s19 =	sld [smem:$0x3FDB];
	_ =	sdelay $0x1  }
0x99: {  	s4 =	simm.s32 $_scs_section_size  }
0x9a: {  	s5 =	simm.s32 $_size__tile_overlayer_lowered;
	s6 =	simm.s32 $_tile_overlayer_lowered  }
0x9b: {  	s22 =	simm.s32 $0x1BFF;
	s21 =	sshll.u32 s6, $0x1;
	s3 =	sadd.s32 s4, s19  }
0x9c: {  	s7 =	simm.s32 $0x0;
	s20 =	sshll.u32 s5, $0x1;
	s5 =	sadd.s32 s21, s3  }
0x9d: {  	[timem:s7], [sflag:s22] =	dma.local [hbm:s5], s20  }
0x9e: {  	_ =	swait.ge [sflag:s22], s20  }
0x9f: {  	s4 =	ssub.s32 $0x0, s20;
	[sflag:s22] =	ssyncset.done $0x0  }
0xa0: {  	[sflag:s22] =	ssyncadd.s32 s4;
	_ =	sdelay $0x1  }
0xa1: {  	s23 =	simm.s32 $0x1B8B  }
0xa2: {  	_ =	swait.ge [sflag:s23], $0x1  }
0xa3: {  	[sflag:s23] =	ssyncset.done $0x0  }
0xa4: {  	s25 =	simm.s32 $0x1B8E;
	s24 =	sld [smem:$0x3FFE];
	[sflag:s23] =	ssyncadd.s32 $0xFFFFFFFF  }
0xa5: {  	s26 =	simm.s32 $execute0_lowered;
	[smem:$0x3FD2] =	sst s25  }
0xa6: {  	s5 =	sshll.u32 s26, $0x1;
	_ =	strace $0x80000049;
	[dreg:$0x1] =	wrdreg $0xFFFFFFFF  }
0xa7: {  	s28 =	simm.s32 $_size_execute0_lowered;
	s3 =	sadd.s32 s3, s5;
	[dreg:$0x0] =	wrdreg $0x0  }
0xa8: {  	s5 =	sshll.u32 s28, $0x1;
	[dreg:$0x2] =	wrdreg s3  }
0xa9: {  	[dreg:$0x3] =	wrdreg s5  }
0xaa: {  	[dreg:$0x4] =	wrdreg $0xC0  }
0xab: {  	_ =	task [dreg:s7], $0x5FFFF  }
0xac: {  	[dreg:$0x1] =	wrdreg $0xFFFFFFFF  }
0xad: {  	[dreg:$0x0] =	wrdreg $0x60  }
0xae: {  	[dreg:$0x2] =	wrdreg s24  }
0xaf: {  	[dreg:$0x3] =	wrdreg s2  }
0xb0: {  	[dreg:$0x4] =	wrdreg $0x0  }
0xb1: {  	[dreg:$0x5] =	wrdreg $0x9  }
0xb2: {  	_ =	task.clear_ibuf [dreg:s7], $0x6FFFF;
	_ =	strace $0x90000049  }
0xb3: {  	s29 =	simm.s32 $0x9;
	_ =	strace $0x8000004B  }
0xb4: {  	_ =	swait.ge [sflag:s29], $0x1  }
0xb5: {  	[sflag:s29] =	ssyncadd.s32 $0xFFFFFFFF  }
0xb6: {  	_ =	strace $0x9000004B  }
0xb7: {  	_ =	sfence  }
0xb8: {  	s30 =	sld [smem:$0x0];
	_ =	sdelay $0x2  }
0xb9: {  	s31 =	sshll.u32 s1, $0xD;
	s1 =	sshrl.u32 s1, $0x2  }
0xba: {  	s3 =	sand.u32 $0x4000, s31;
	s1 =	sadd.s32 s1, s30  }
0xbb: {  	s0 =	sor.u32 s3, s0;
	s1 =	sshll.u32 s1, $0x11  }
0xbc: {  	s0 =	sor.u32 s1, s0  }
0xbd: {  	s0 =	sadd.s32 $0x8F2B, s0  }
0xbe: {  	[sflag:s0] =	ssyncadd.remote.s32 $0x1  }
0xbf: {  	_ =	sfence.sel $0xFFFF  }
0xc0: {  	[dreg:$0x0] =	wrdreg $0xFFFFFFFF;
	(pc) =	sbr.abs _section_cstart, $3  }
0xc1: {  	[dreg:$0x1] =	wrdreg $0xFFFFFFFF  }
0xc2: {  	_ =	task.clear_ibuf [dreg:s7], $0x2FFFF;
	_ =	strace $0x9FFFFFFF  }
0xc3: {  	(tm) =	ssettm $0x7FFFFFFF  }
tec
execute0_lowered:
.L_overlay_start_1:
0x0: {  	(tag) =	ssettag $0x1  }
0x1: {  	s4 =	rddreg [dreg:$0x0]  }
0x2: {  	s5 =	rddreg [dreg:$0x1]  }
0x3: {  	s0 =	srdreg.scid;
	s1 =	stileid.u32  }
0x4: {  	s2 =	rddreg [dreg:$0x2];
	s8 =	smul.u32 $0x13C00, s1  }
0x5: {  	s3 =	simm.s32 $0x0;
	s14 =	simm.s32 $0x13C00;
	s10 =	smul.u32 $0x4E2, s1  }
0x6: {  	s15 =	simm.s32 $0x1;
	s16 =	simm.s32 $0xC8;
	s11 =	smul.u32 $0x4F000, s1  }
0x7: {  	s6 =	sand.u32 $0x1, s0;
	s0 =	rddreg [dreg:$0x3];
	s18 =	smul.u32 $0x27100, s1  }
0x8: {  	[smem:$0x7FF] =	sst s3;
	s31 =	sshll.u32 s1, $0x6;
	s7 =	smul.u32 $0x271000, s6  }
0x9: {  	s9 =	smul.u32 $0x13C000, s6;
	_ =	strace $0x8000004A;
	s6 =	ssub.s32 $0x2, s6  }
0xa: {  	s10 =	sadd.s32 s10, s4;
	s12 =	sshrl.u32 s6, $0x1;
	s29 =	sshrl.u32 s11, $0x2  }
0xb: {  	s30 =	sshrl.u32 s8, $0x3;
	s7 =	sadd.s32 s7, s4;
	s9 =	sadd.s32 s8, s9  }
0xc: {  	s12 =	ssub.s32 s6, s12;
	s11 =	sadd.s32 s29, s2;
	s9 =	sshrl.u32 s9, $0x3  }
0xd: {  	s13 =	sadd.s32 $0xA6C400, s7;
	s17 =	sadd.s32 $0xF4E400, s7;
	s8 =	smax.u32 s12, $0x1  }
0xe: {  	s9 =	sadd.s32 s9, s4;
	s4 =	sadd.s32 s5, s30;
	s5 =	sor.u32 $0x1C02, s31  }
0xf: {  	s12 =	sadd.s32 s13, s18;
	s13 =	simm.s32 $0x13D00;
	s17 =	sadd.s32 s17, s18  }
0x10: {  	s18 =	simm.s32 $0x0;
	s6 =	sadd.s32 $0xC000, s9;
	s7 =	sadd.s32 $0x5B000, s9  }
0x11: {  	s9 =	sadd.s32 $0x7000, s10;
	s10 =	sshrl.u32 s11, $0x3;
	s11 =	simm.s32 $0x2  }
.LBB2_1:
0x12: {  	[spmem:s10], [sflag:s5] =	dma.local [hbm:s4], $0x2780  }
0x13: {  	_ =	swait.ge [sflag:s11], $0x2780  }
0x14: {  	[sflag:s11] =	ssyncset.done $0x0  }
0x15: {  	[sflag:s11] =	ssyncadd.s32 $0xFFFFD880  }
0x16: {  	[bflag:$0x0] =	sbarrier.arrive $0xFFFF  }
0x17: {  	[tilespmem:s13], [sflag:$0x1] =	stream.linear.gather [hbm4b:s12+s3], $0x6400, $0x38;
	[tilespmem:$0x1A100] =	vst v63  }
0x18: {  	s19 =	sadd.s32 $0x0, s9  }
0x19: {  	[tilespmem:s14], [sflag:$0x2] =	stream.linear.gather [hbm4b:s19+s3], $0xC8, $0x38;
	[tilespmem:$0x1A100] =	vst v63  }
0x1a: {  	_ =	swait.ge [sflag:s11], $0xC8  }
0x1b: {  	[sflag:s11] =	ssyncset.done $0x0  }
0x1c: {  	[sflag:s11] =	ssyncadd.s32 $0xFFFFFF38  }
0x1d: {  	_ =	swait.ge [sflag:s15], $0x6400  }
0x1e: {  	[sflag:s15] =	ssyncset.done $0x0  }
0x1f: {  	[sflag:s15] =	ssyncadd.s32 $0xFFFF9C00  }
0x20: {  	[spmem:s2] =	stream.indirect.scatter.add.f32 [tilespmem:s13], [sflag:$0x2], $0x80, s14, s16, $0xb8;
	[tilespmem:$0x1A100] =	vst v63  }
0x21: {  	_ =	swait.ge [sflag:s11], $0x6400  }
0x22: {  	s20 =	smov.u32 s12;
	s19 =	simm.s32 $0x19;
	[sflag:s11] =	ssyncset.done $0x0  }
.LBB2_2:
0x23: {  	p0 =	sne.s32 s19, $0x4C9;
	[sflag:s11] =	ssyncadd.s32 $0xFFFF9C00;
	s20 =	sadd.s32 $0xC80, s20  }
0x24: {  	[tilespmem:s13], [sflag:$0x1] =	stream.linear.gather [hbm4b:s20+s3], $0x6400, $0x38;
	[tilespmem:$0x1A100] =	vst v63  }
0x25: {  	s21 =	sadd.s32 s19, s9;
	s19 =	sadd.s32 $0x19, s19  }
0x26: {  	[tilespmem:s14], [sflag:$0x2] =	stream.linear.gather [hbm4b:s21+s3], $0xC8, $0x38;
	[tilespmem:$0x1A100] =	vst v63  }
0x27: {  	_ =	swait.ge [sflag:s11], $0xC8  }
0x28: {  	[sflag:s11] =	ssyncset.done $0x0  }
0x29: {  	[sflag:s11] =	ssyncadd.s32 $0xFFFFFF38  }
0x2a: {  	_ =	swait.ge [sflag:s15], $0x6400  }
.Ltmp0:
0x2b: {  	[sflag:s15] =	ssyncset.done $0x0;
	(pc) =	sbr.rel @p0 .LBB2_2-.Ltmp0, $4  }
0x2c: {  	[sflag:s15] =	ssyncadd.s32 $0xFFFF9C00  }
0x2d: {  	[spmem:s2] =	stream.indirect.scatter.add.f32 [tilespmem:s13], [sflag:$0x2], $0x80, s14, s16, $0xb8;
	[tilespmem:$0x1A100] =	vst v63  }
0x2e: {  	_ =	swait.ge [sflag:s11], $0x6400  }
0x2f: {  	[sflag:s11] =	ssyncset.done $0x0  }
0x30: {  	[sflag:s11] =	ssyncadd.s32 $0xFFFF9C00  }
0x31: {  	[bflag:$0x0] =	sbarrier.arrive $0xFFFF  }
0x32: {  	[hbm:s6], [sflag:s5] =	dma.local [spmem:s10], $0x2780  }
0x33: {  	_ =	swait.ge [sflag:s11], $0x2780  }
0x34: {  	[sflag:s11] =	ssyncset.done $0x0  }
0x35: {  	[sflag:s11] =	ssyncadd.s32 $0xFFFFD880  }
0x36: {  	[bflag:$0x0] =	sbarrier.arrive $0xFFFF  }
0x37: {  	[spmem:s10], [sflag:s5] =	dma.local [hbm:s4], $0x2780  }
0x38: {  	_ =	swait.ge [sflag:s11], $0x2780  }
0x39: {  	[sflag:s11] =	ssyncset.done $0x0  }
0x3a: {  	[sflag:s11] =	ssyncadd.s32 $0xFFFFD880  }
0x3b: {  	[bflag:$0x0] =	sbarrier.arrive $0xFFFF  }
0x3c: {  	[tilespmem:s13], [sflag:$0x1] =	stream.linear.gather [hbm4b:s17+s3], $0x6400, $0x38;
	[tilespmem:$0x1A100] =	vst v63  }
0x3d: {  	s19 =	sadd.s32 $0x0, s9  }
0x3e: {  	[tilespmem:s14], [sflag:$0x2] =	stream.linear.gather [hbm4b:s19+s3], $0xC8, $0x38;
	[tilespmem:$0x1A100] =	vst v63  }
0x3f: {  	_ =	swait.ge [sflag:s11], $0xC8  }
0x40: {  	[sflag:s11] =	ssyncset.done $0x0  }
0x41: {  	[sflag:s11] =	ssyncadd.s32 $0xFFFFFF38  }
0x42: {  	_ =	swait.ge [sflag:s15], $0x6400  }
0x43: {  	[sflag:s15] =	ssyncset.done $0x0  }
0x44: {  	[sflag:s15] =	ssyncadd.s32 $0xFFFF9C00  }
0x45: {  	[spmem:s2] =	stream.indirect.scatter.add.f32 [tilespmem:s13], [sflag:$0x2], $0x80, s14, s16, $0xb8;
	[tilespmem:$0x1A100] =	vst v63  }
0x46: {  	_ =	swait.ge [sflag:s11], $0x6400  }
0x47: {  	s20 =	smov.u32 s17;
	s19 =	simm.s32 $0x19;
	[sflag:s11] =	ssyncset.done $0x0  }
.LBB2_4:
0x48: {  	p0 =	sne.s32 s19, $0x4C9;
	[sflag:s11] =	ssyncadd.s32 $0xFFFF9C00;
	s20 =	sadd.s32 $0xC80, s20  }
0x49: {  	[tilespmem:s13], [sflag:$0x1] =	stream.linear.gather [hbm4b:s20+s3], $0x6400, $0x38;
	[tilespmem:$0x1A100] =	vst v63  }
0x4a: {  	s21 =	sadd.s32 s19, s9;
	s19 =	sadd.s32 $0x19, s19  }
0x4b: {  	[tilespmem:s14], [sflag:$0x2] =	stream.linear.gather [hbm4b:s21+s3], $0xC8, $0x38;
	[tilespmem:$0x1A100] =	vst v63  }
0x4c: {  	_ =	swait.ge [sflag:s11], $0xC8  }
0x4d: {  	[sflag:s11] =	ssyncset.done $0x0  }
0x4e: {  	[sflag:s11] =	ssyncadd.s32 $0xFFFFFF38  }
0x4f: {  	_ =	swait.ge [sflag:s15], $0x6400  }
.Ltmp1:
0x50: {  	[sflag:s15] =	ssyncset.done $0x0;
	(pc) =	sbr.rel @p0 .LBB2_4-.Ltmp1, $4  }
0x51: {  	[sflag:s15] =	ssyncadd.s32 $0xFFFF9C00  }
0x52: {  	[spmem:s2] =	stream.indirect.scatter.add.f32 [tilespmem:s13], [sflag:$0x2], $0x80, s14, s16, $0xb8;
	[tilespmem:$0x1A100] =	vst v63  }
0x53: {  	_ =	swait.ge [sflag:s11], $0x6400  }
0x54: {  	[sflag:s11] =	ssyncset.done $0x0  }
0x55: {  	[sflag:s11] =	ssyncadd.s32 $0xFFFF9C00;
	s18 =	sadd.s32 $0x1, s18  }
0x56: {  	[bflag:$0x0] =	sbarrier.arrive $0xFFFF;
	p0 =	sne.s32 s18, s8  }
0x57: {  	[hbm:s7], [sflag:s5] =	dma.local [spmem:s10], $0x2780  }
.Ltmp2:
0x58: {  	_ =	swait.ge [sflag:s11], $0x2780;
	(pc) =	sbr.rel @p0 .LBB2_1-.Ltmp2, $3  }
0x59: {  	[sflag:s11] =	ssyncset.done $0x0  }
0x5a: {  	[sflag:s11] =	ssyncadd.s32 $0xFFFFD880  }
0x5b: {  	[bflag:$0x0] =	sbarrier.arrive $0xFFFF;
	_ =	sdelay $0x1  }
0x5c: {  	_ =	sfence.sel $0x180000  }
0x5d: {  	[bflag:$0x0] =	sbarrier.arrive $0xFFFF  }
0x5e: {  	p0 =	sne.s32 s1, $0x0;
	_ =	strace $0x9000004A  }
0x5f: {  	s0 =	sadd.s32 @!p0 $0x100000, s0;
	[bflag:$0x2] =	sbarrier.arrive $0xFFFF  }
0x60: {  	[sflag:s0] =	ssyncadd.tile.s32 @!p0 $0x1;
	_ =	shalt  }
.Lfunc_end2:
_tile_overlayer_lowered:
.L_overlay_start_2:
0x61: {  	(tag) =	ssettag $0x2  }
0x62: {  	s0 =	rddreg [dreg:$0x0];
	s2 =	stileid.u32  }
0x63: {  	s1 =	rddreg [dreg:$0x1];
	p0 =	sne.s32 s2, $0x0  }
0x64: {  	s3 =	rddreg [dreg:$0x2];
	[bflag:$0x3] =	sbarrier.arrive $0xFFFF;
	s2 =	simm.s32 @!p0 $0x1C02  }
0x65: {  	[timem:s3], [sflag:s2] =	dma.local @!p0 [hbm:s0], s1  }
0x66: {  	s0 =	simm.s32 @!p0 $0x2  }
0x67: {  	_ =	swait.ge @!p0 [sflag:s0], s1  }
0x68: {  	s1 =	ssub.s32 @!p0 $0x0, s1;
	[sflag:s0] =	ssyncset.done @!p0 $0x0  }
0x69: {  	[sflag:s0] =	ssyncadd.s32 @!p0 s1  }
0x6a: {  	[bflag:$0x3] =	sbarrier.arrive $0xFFFF  }
0x6b: {  	_ =	shalt  }

// kernel: kernel.7.cloned.1.call-start
scs
__scs_entry_jumppad:
0x0: {  	(pc) =	sbr.rel $0x88, $3  }
0x1: {  	(tag) =	ssettag $0x0;
	lr =	simm.s32 $0x1  }
0x2: {  	[smem:$0x3F97] =	sst lr;
	_ =	strace $0xD0000000  }
0x3: {  	_ = 	snop  }
0x4: {  	_ = 	snop  }
0x5: {  	_ = 	snop  }
0x6: {  	_ = 	snop  }
0x7: {  	_ = 	snop  }
__scs_overlays_trampoline_lowered:
0x8: {  	[smem:$0x3FA6] =	sst s0  }
0x9: {  	[smem:$0x3FA7] =	sst s1  }
0xa: {  	[smem:$0x3FA8] =	sst s2  }
0xb: {  	[smem:$0x3FA9] =	sst s3  }
0xc: {  	[smem:$0x3FAA] =	sst s4  }
0xd: {  	[smem:$0x3FAB] =	sst s5  }
0xe: {  	[smem:$0x3FAC] =	sst s6  }
0xf: {  	[smem:$0x3FAD] =	sst s7  }
0x10: {  	[smem:$0x3FAE] =	sst s8  }
0x11: {  	[smem:$0x3FAF] =	sst s9;
	s0 =	simm.s32 @!p0 $0x0  }
0x12: {  	s1 =	sld [smem:$0x3F95];
	s0 =	simm.s32 @p0 $0x1  }
0x13: {  	[smem:$0x3FB0] =	sst s0;
	s0 =	simm.s32 @!p1 $0x0  }
0x14: {  	s2 =	sld [smem:$0x3F94];
	s0 =	simm.s32 @p1 $0x1  }
0x15: {  	[smem:$0x3FB1] =	sst s0;
	s0 =	simm.s32 @!p2 $0x0  }
0x16: {  	s3 =	sld [smem:$0x3FDB];
	s0 =	simm.s32 @p2 $0x1  }
0x17: {  	s4 =	simm.s32 $0x1BF5;
	[smem:$0x3FB3] =	sst s0  }
0x18: {  	s0 =	sld [smem:$0x3F96];
	_ =	swait.ge [sflag:s4], $0x0  }
0x19: {  	s7 =	sld [smem:$0x3F97]  }
0x1a: {  	s8 =	sadd.s32 $0xFFFFE003, lr  }
0x1b: {  	s9 =	sadd.s32 $0xFFFFFEF7, lr;
	s5 =	simm.s32 $0xFFFFFFFF;
	p2 =	slt.u32 s8, $0xFFFFF086  }
0x1c: {  	p1 =	slt.u32 s9, $0xF7A;
	s5 =	simm.s32 @!p2 $0x0  }
0x1d: {  	s5 =	simm.s32 @p1 $0x1;
	p0 =	seq.s32 s7, s2  }
0x1e: {  	s7 =	smul.u32 @!p0 $0xF7A, s2;
	p2 =	seq.s32 @!p0 s5, $0x0  }
0x1f: {  	s9 =	smul.u32 $0xF7A, s1;
	s8 =	simm.s32 @!p0 $0x1BF5;
	p2 =	por !p2, p0  }
0x20: {  	[sflag:s8] =	ssyncset.s32 @!p0 $0xFFFFF086;
	s6 =	sadd.s32 @!p0 s3, s7;
	s7 =	simm.s32 @!p0 $0x108  }
0x21: {  	s3 =	sadd.s32 s3, s9;
	s6 =	sadd.s32 @!p0 $0x88, s6;
	s7 =	simm.s32 @p2 $0x1082  }
0x22: {  	[simem:s7], [sflag:s8] =	dma.local @!p0 [hbm:s6], $0xF7A  }
0x23: {  	s9 =	sor.u32 $0xD0000000, s2;
	s6 =	simm.s32 $0x108;
	_ =	swait.ge @!p0 [sflag:s8], $0x0  }
0x24: {  	s3 =	sadd.s32 $0x88, s3;
	s6 =	simm.s32 @!p1 $0x1082;
	[sflag:s4] =	ssyncset.s32 $0xFFFFF086  }
0x25: {  	[simem:s6], [sflag:s4] =	dma.local [hbm:s3], $0xF7A  }
0x26: {  	[smem:$0x3F97] =	sst s1;
	(tag) =	ssettag s2;
	_ =	strace s9  }
0x27: {  	s1 =	sld [smem:$0x3FA7]  }
0x28: {  	s2 =	sld [smem:$0x3FA8]  }
0x29: {  	s4 =	sld [smem:$0x3FAA]  }
0x2a: {  	p0 =	seq.s32 s5, $0x0;
	s5 =	sld [smem:$0x3FAB]  }
0x2b: {  	s6 =	sld [smem:$0x3FAC]  }
0x2c: {  	s7 =	sld [smem:$0x3FAD]  }
0x2d: {  	s3 =	simm.s32 $0x108;
	s8 =	sld [smem:$0x3FAE]  }
0x2e: {  	s3 =	simm.s32 @!p0 $0x1082;
	s9 =	sld [smem:$0x3FAF]  }
0x2f: {  	lr =	sadd.s32 s0, s3;
	s0 =	sld [smem:$0x3FA6]  }
0x30: {  	s3 =	sld [smem:$0x3FA9]  }
0x31: {  	[smem:$0x3FB2] =	sst s10  }
0x32: {  	s10 =	sld [smem:$0x3FB0];
	_ =	sdelay $0x3  }
0x33: {  	p0 =	seq.s32 s10, $0x1;
	s10 =	sld [smem:$0x3FB2];
	_ =	sdelay $0x3  }
0x34: {  	[smem:$0x3FB2] =	sst s10  }
0x35: {  	s10 =	sld [smem:$0x3FB1];
	_ =	sdelay $0x3  }
0x36: {  	p1 =	seq.s32 s10, $0x1;
	s10 =	sld [smem:$0x3FB2];
	_ =	sdelay $0x3  }
0x37: {  	[smem:$0x3FB2] =	sst s10  }
0x38: {  	s10 =	sld [smem:$0x3FB3]  }
0x39: {  	_ = 	snop;
	(pc) =	sbr.ind lr, $3  }
0x3a: {  	_ = 	snop  }
0x3b: {  	_ = 	snop  }
0x3c: {  	p2 =	seq.s32 s10, $0x1;
	s10 =	sld [smem:$0x3FB2]  }
0x3d: {  	_ =	shalt  }
0x3e: {  	_ =	shalt  }
0x3f: {  	_ =	shalt  }
0x40: {  	_ =	shalt  }
0x41: {  	_ =	shalt  }
0x42: {  	_ =	shalt  }
0x43: {  	_ =	shalt  }
0x44: {  	_ =	shalt  }
0x45: {  	_ =	shalt  }
0x46: {  	_ =	shalt  }
0x47: {  	_ =	shalt  }
0x48: {  	_ =	shalt  }
0x49: {  	_ =	shalt  }
0x4a: {  	_ =	shalt  }
0x4b: {  	_ =	shalt  }
0x4c: {  	_ =	shalt  }
0x4d: {  	_ =	shalt  }
0x4e: {  	_ =	shalt  }
0x4f: {  	_ =	shalt  }
0x50: {  	_ =	shalt  }
0x51: {  	_ =	shalt  }
0x52: {  	_ =	shalt  }
0x53: {  	_ =	shalt  }
0x54: {  	_ =	shalt  }
0x55: {  	_ =	shalt  }
0x56: {  	_ =	shalt  }
0x57: {  	_ =	shalt  }
0x58: {  	_ =	shalt  }
0x59: {  	_ =	shalt  }
0x5a: {  	_ =	shalt  }
0x5b: {  	_ =	shalt  }
0x5c: {  	_ =	shalt  }
0x5d: {  	_ =	shalt  }
0x5e: {  	_ =	shalt  }
0x5f: {  	_ =	shalt  }
0x60: {  	_ =	shalt  }
0x61: {  	_ =	shalt  }
0x62: {  	_ =	shalt  }
0x63: {  	_ =	shalt  }
0x64: {  	_ =	shalt  }
0x65: {  	_ =	shalt  }
0x66: {  	_ =	shalt  }
0x67: {  	_ =	shalt  }
0x68: {  	_ =	shalt  }
0x69: {  	_ =	shalt  }
0x6a: {  	_ =	shalt  }
0x6b: {  	_ =	shalt  }
0x6c: {  	_ =	shalt  }
0x6d: {  	_ =	shalt  }
0x6e: {  	_ =	shalt  }
0x6f: {  	_ =	shalt  }
0x70: {  	_ =	shalt  }
0x71: {  	_ =	shalt  }
0x72: {  	_ =	shalt  }
0x73: {  	_ =	shalt  }
0x74: {  	_ =	shalt  }
0x75: {  	_ =	shalt  }
0x76: {  	_ =	shalt  }
0x77: {  	_ =	shalt  }
0x78: {  	_ =	shalt  }
0x79: {  	_ =	shalt  }
0x7a: {  	_ =	shalt  }
0x7b: {  	_ =	shalt  }
0x7c: {  	_ =	shalt  }
0x7d: {  	_ =	shalt  }
0x7e: {  	_ =	shalt  }
0x7f: {  	_ =	shalt  }
0x80: {  	_ =	shalt  }
0x81: {  	_ =	shalt  }
0x82: {  	_ =	shalt  }
0x83: {  	_ =	shalt  }
0x84: {  	_ =	shalt  }
0x85: {  	_ =	shalt  }
0x86: {  	_ =	shalt  }
0x87: {  	_ =	shalt  }
.Lfunc_end0:
.L_simem_size_0:
called_computation_lowered:
.L_overlay_start_0:
0x88: {  	s2 =	sld [smem:$0x3FD9]  }
0x89: {  	s3 =	sld [smem:$0x3FFE];
	_ =	sdelay $0x1  }
0x8a: {  	s1 =	srdreg.scid  }
0x8b: {  	s0 =	sand.u32 $0x1, s1  }
0x8c: {  	s17 =	sshll.u32 s0, $0xA;
	s2 =	sadd.s32 s3, s2  }
0x8d: {  	s2 =	sadd.s32 s2, s17  }
0x8e: {  	[smem:$0x3FBE] =	sst s2  }
0x8f: {  	_ = 	snop  }
0x90: {  	s2 =	sld [smem:$0x3FD0];
	(tm) =	ssettm $0x1  }
0x91: {  	s18 =	sld [smem:$0x3FFB];
	_ =	sdelay $0x3  }
0x92: {  	_ =	strace s18  }
0x93: {  	s3 =	sld [smem:$0x3FFC];
	_ =	sdelay $0x3  }
0x94: {  	_ =	strace s3  }
0x95: {  	s3 =	sld [smem:$0x3FFD];
	_ =	sdelay $0x3  }
0x96: {  	_ =	strace s3  }
0x97: {  	_ =	strace $0x8FFFFFFF  }
0x98: {  	s19 =	sld [smem:$0x3FDB];
	_ =	sdelay $0x1  }
0x99: {  	s4 =	simm.s32 $_scs_section_size  }
0x9a: {  	s5 =	simm.s32 $_size__tile_overlayer_lowered;
	s6 =	simm.s32 $_tile_overlayer_lowered  }
0x9b: {  	s22 =	simm.s32 $0x1BFF;
	s21 =	sshll.u32 s6, $0x1;
	s3 =	sadd.s32 s4, s19  }
0x9c: {  	s7 =	simm.s32 $0x0;
	s20 =	sshll.u32 s5, $0x1;
	s5 =	sadd.s32 s21, s3  }
0x9d: {  	[timem:s7], [sflag:s22] =	dma.local [hbm:s5], s20  }
0x9e: {  	_ =	swait.ge [sflag:s22], s20  }
0x9f: {  	s4 =	ssub.s32 $0x0, s20;
	[sflag:s22] =	ssyncset.done $0x0  }
0xa0: {  	[sflag:s22] =	ssyncadd.s32 s4;
	_ =	sdelay $0x1  }
0xa1: {  	s23 =	simm.s32 $0x1B8B  }
0xa2: {  	_ =	swait.ge [sflag:s23], $0x1  }
0xa3: {  	[sflag:s23] =	ssyncset.done $0x0  }
0xa4: {  	s25 =	simm.s32 $0x1B8E;
	s24 =	sld [smem:$0x3FFE];
	[sflag:s23] =	ssyncadd.s32 $0xFFFFFFFF  }
0xa5: {  	s26 =	simm.s32 $execute0_lowered;
	[smem:$0x3FD2] =	sst s25  }
0xa6: {  	s5 =	sshll.u32 s26, $0x1;
	_ =	strace $0x80000046;
	[dreg:$0x1] =	wrdreg $0xFFFFFFFF  }
0xa7: {  	s28 =	simm.s32 $_size_execute0_lowered;
	s3 =	sadd.s32 s3, s5;
	[dreg:$0x0] =	wrdreg $0x0  }
0xa8: {  	s5 =	sshll.u32 s28, $0x1;
	[dreg:$0x2] =	wrdreg s3  }
0xa9: {  	[dreg:$0x3] =	wrdreg s5  }
0xaa: {  	[dreg:$0x4] =	wrdreg $0xC0  }
0xab: {  	_ =	task [dreg:s7], $0x5FFFF  }
0xac: {  	[dreg:$0x1] =	wrdreg $0xFFFFFFFF  }
0xad: {  	[dreg:$0x0] =	wrdreg $0x60  }
0xae: {  	[dreg:$0x2] =	wrdreg s24  }
0xaf: {  	[dreg:$0x3] =	wrdreg s2  }
0xb0: {  	[dreg:$0x4] =	wrdreg $0x9  }
0xb1: {  	_ =	task.clear_ibuf [dreg:s7], $0x5FFFF;
	_ =	strace $0x90000046  }
0xb2: {  	s29 =	simm.s32 $0x9;
	_ =	strace $0x80000048  }
0xb3: {  	_ =	swait.ge [sflag:s29], $0x1  }
0xb4: {  	[sflag:s29] =	ssyncadd.s32 $0xFFFFFFFF  }
0xb5: {  	_ =	strace $0x90000048  }
0xb6: {  	_ =	sfence  }
0xb7: {  	s30 =	sld [smem:$0x0];
	_ =	sdelay $0x2  }
0xb8: {  	s31 =	sshll.u32 s1, $0xD;
	s1 =	sshrl.u32 s1, $0x2  }
0xb9: {  	s3 =	sand.u32 $0x4000, s31;
	s1 =	sadd.s32 s1, s30  }
0xba: {  	s0 =	sor.u32 s3, s0;
	s1 =	sshll.u32 s1, $0x11  }
0xbb: {  	s0 =	sor.u32 s1, s0  }
0xbc: {  	s0 =	sadd.s32 $0x8F2B, s0  }
0xbd: {  	[sflag:s0] =	ssyncadd.remote.s32 $0x1  }
0xbe: {  	_ =	sfence.sel $0xFFFF  }
0xbf: {  	[dreg:$0x0] =	wrdreg $0xFFFFFFFF;
	(pc) =	sbr.abs _section_cstart, $3  }
0xc0: {  	[dreg:$0x1] =	wrdreg $0xFFFFFFFF  }
0xc1: {  	_ =	task.clear_ibuf [dreg:s7], $0x2FFFF;
	_ =	strace $0x9FFFFFFF  }
0xc2: {  	(tm) =	ssettm $0x7FFFFFFF  }
0xc3: {  	_ =	shalt  }
tec
execute0_lowered:
.L_overlay_start_1:
0x0: {  	(tag) =	ssettag $0x1  }
0x1: {  	s3 =	rddreg [dreg:$0x0];
	s0 =	srdreg.scid  }
0x2: {  	s10 =	rddreg [dreg:$0x1];
	s1 =	simm.s32 $0x0;
	s14 =	simm.s32 $0x100  }
0x3: {  	s15 =	simm.s32 $0xC8;
	s16 =	simm.s32 $0x200;
	s17 =	simm.s32 $0x6600  }
0x4: {  	s18 =	simm.s32 $0xCA00;
	s19 =	simm.s32 $0x1;
	s20 =	simm.s32 $0x2  }
0x5: {  	s21 =	simm.s32 $0x3;
	s11 =	sand.u32 $0x1, s0;
	s0 =	rddreg [dreg:$0x2]  }
0x6: {  	s22 =	simm.s32 $0x4;
	s23 =	simm.s32 $0x0;
	[smem:$0x7FF] =	sst s1  }
0x7: {  	s2 =	sadd.s32 $0x7000, s3;
	s4 =	sadd.s32 $0x2000, s3;
	s5 =	sadd.s32 $0xA8400, s3  }
0x8: {  	s6 =	sadd.s32 $0x58A400, s3;
	s12 =	smul.u32 $0x27100, s11;
	s7 =	ssub.s32 $0x2, s11  }
0x9: {  	_ =	strace $0x80000047;
	s11 =	smul.u32 $0x1388000, s11;
	s8 =	sshrl.u32 s7, $0x1  }
0xa: {  	s9 =	sadd.s32 s12, s3;
	s3 =	stileid.u32;
	s13 =	ssub.s32 s7, s8  }
0xb: {  	s10 =	sadd.s32 s10, s12;
	s7 =	smul.u32 $0x2710, s3;
	s8 =	sadd.s32 $0xC000, s9  }
0xc: {  	s9 =	sadd.s32 $0x5A200, s9;
	s12 =	smax.u32 s13, $0x1;
	s13 =	simm.s32 $0x5  }
.LBB2_1:
0xd: {  	s24 =	simm.s32 $0x0  }
.LBB2_2:
0xe: {  	s25 =	smul.u32 $0xC8, s24;
	_ =	sdelay $0x1  }
0xf: {  	s25 =	sadd.s32 s7, s25  }
0x10: {  	s26 =	sshrl.u32 s25, $0x3  }
0x11: {  	s28 =	sadd.s32 s2, s26  }
0x12: {  	[tilespmem:s1], [sflag:$0x5] =	stream.linear.gather [hbm4b:s28+s1], $0xC8, $0x38;
	[tilespmem:$0x12E00] =	vst v63  }
0x13: {  	_ =	swait.ge [sflag:s13], $0xC8  }
0x14: {  	[sflag:s13] =	ssyncset.done $0x0  }
0x15: {  	s26 =	sadd.s32 s4, s26;
	[sflag:s13] =	ssyncadd.s32 $0xFFFFFF38  }
0x16: {  	[tilespmem:s14], [sflag:$0x5] =	stream.linear.gather [hbm4b:s26+s1], $0xC8, $0x38;
	[tilespmem:$0x12E00] =	vst v63  }
0x17: {  	_ =	swait.ge [sflag:s13], $0xC8  }
0x18: {  	p0 =	seq.s32 s24, $0x0;
	[sflag:s13] =	ssyncset.done $0x0  }
0x19: {  	s26 =	simm.s32 @!p0 $0x4;
	[sflag:s13] =	ssyncadd.s32 $0xFFFFFF38  }
0x1a: {  	_ =	swait.ge @!p0 [sflag:s26], $0x6400  }
0x1b: {  	[sflag:s26] =	ssyncset.done @!p0 $0x0  }
0x1c: {  	[sflag:s26] =	ssyncadd.s32 @!p0 $0xFFFF9C00  }
0x1d: {  	_ =	swait.ge @!p0 [sflag:s26], $0x6400  }
0x1e: {  	[sflag:s26] =	ssyncset.done @!p0 $0x0  }
0x1f: {  	s31 =	simm.s32 $0x0;
	[sflag:s26] =	ssyncadd.s32 @!p0 $0xFFFF9C00  }
0x20: {  	[tilespmem:s16], [sflag:$0x1] =	stream.indirect.gather [hbm4b:s8+s15], $0x80, s31, s15, $0xb8;
	[tilespmem:$0x12E00] =	vst v63  }
0x21: {  	_ = 	snop  }
0x22: {  	[tilespmem:s17], [sflag:$0x2] =	stream.indirect.gather [hbm4b:s9+s15], $0x80, s14, s15, $0xb8;
	[tilespmem:$0x12E00] =	vst v63  }
0x23: {  	_ = 	snop  }
0x24: {  	[tilespmem:s18], [sflag:$0x3] =	stream.indirect.gather [hbm4b:s10+s15], $0x80, s14, s15, $0xb8;
	[tilespmem:$0x12E00] =	vst v63  }
0x25: {  	_ =	swait.ge [sflag:s19], $0x6400  }
0x26: {  	[sflag:s19] =	ssyncset.done $0x0  }
0x27: {  	[sflag:s19] =	ssyncadd.s32 $0xFFFF9C00  }
0x28: {  	_ =	swait.ge [sflag:s20], $0x6400  }
0x29: {  	[sflag:s20] =	ssyncset.done $0x0  }
0x2a: {  	s26 =	simm.s32 $0x0;
	[sflag:s20] =	ssyncadd.s32 $0xFFFF9C00  }
0x2b: {  	v6 =	vld [tilespmem:s26+$0x6600]  }
0x2c: {  	v7 =	vld [tilespmem:s26+$0x6610]  }
0x2d: {  	v8 =	vld [tilespmem:s26+$0x6620]  }
0x2e: {  	v9 =	vld [tilespmem:s26+$0x6630]  }
0x2f: {  	v10 =	vld [tilespmem:s26+$0x6640]  }
0x30: {  	v11 =	vld [tilespmem:s26+$0x6650]  }
0x31: {  	v12 =	vld [tilespmem:s26+$0x6660]  }
0x32: {  	v13 =	vld [tilespmem:s26+$0x6670]  }
0x33: {  	v14 =	vld [tilespmem:s26+$0x6680]  }
0x34: {  	v15 =	vld [tilespmem:s26+$0x6690]  }
0x35: {  	v16 =	vld [tilespmem:s26+$0x66A0]  }
0x36: {  	v17 =	vld [tilespmem:s26+$0x66B0]  }
0x37: {  	v18 =	vld [tilespmem:s26+$0x66C0]  }
0x38: {  	v19 =	vld [tilespmem:s26+$0x66D0]  }
0x39: {  	v20 =	vld [tilespmem:s26+$0x66E0]  }
0x3a: {  	v21 =	vld [tilespmem:s26+$0x66F0]  }
0x3b: {  	v22 =	vld [tilespmem:s26+$0x6700]  }
0x3c: {  	v23 =	vld [tilespmem:s26+$0x6710]  }
0x3d: {  	v24 =	vld [tilespmem:s26+$0x6720]  }
0x3e: {  	v25 =	vld [tilespmem:s26+$0x6730]  }
0x3f: {  	v26 =	vld [tilespmem:s26+$0x6740]  }
0x40: {  	v27 =	vld [tilespmem:s26+$0x6750]  }
0x41: {  	v28 =	vld [tilespmem:s26+$0x6760]  }
0x42: {  	v29 =	vld [tilespmem:s26+$0x6770]  }
0x43: {  	v30 =	vld [tilespmem:s26+$0x6780]  }
0x44: {  	v31 =	vld [tilespmem:s26+$0x6790]  }
0x45: {  	v5 =	vld [tilespmem:s26+$0x67A0]  }
0x46: {  	v4 =	vld [tilespmem:s26+$0x67B0]  }
0x47: {  	v3 =	vld [tilespmem:s26+$0x67C0]  }
0x48: {  	v2 =	vld [tilespmem:s26+$0x67D0]  }
0x49: {  	v1 =	vld [tilespmem:s26+$0x67E0]  }
0x4a: {  	v32 =	vld [tilespmem:s26+$0x200]  }
0x4b: {  	v33 =	vld [tilespmem:s26+$0x210]  }
0x4c: {  	v34 =	vld [tilespmem:s26+$0x220]  }
0x4d: {  	v35 =	vld [tilespmem:s26+$0x230]  }
0x4e: {  	v36 =	vld [tilespmem:s26+$0x240]  }
0x4f: {  	v63 =	vld [tilespmem:s26+$0x250];
	v6 =	vmul.f32 v6, v32  }
0x50: {  	v37 =	vld [tilespmem:s26+$0x260];
	v7 =	vmul.f32 v7, v33  }
0x51: {  	v8 =	vmul.f32 v8, v34;
	[tilespmem:s26+$0x200] =	vst v6;
	v6 =	vld [tilespmem:s26+$0x270]  }
0x52: {  	v9 =	vmul.f32 v9, v35;
	[tilespmem:s26+$0x210] =	vst v7;
	v7 =	vld [tilespmem:s26+$0x280]  }
0x53: {  	v10 =	vmul.f32 v10, v36;
	[tilespmem:s26+$0x220] =	vst v8;
	v8 =	vld [tilespmem:s26+$0x290]  }
0x54: {  	v11 =	vmul.f32 v11, v63;
	[tilespmem:s26+$0x230] =	vst v9;
	v9 =	vld [tilespmem:s26+$0x2A0]  }
0x55: {  	v12 =	vmul.f32 v12, v37;
	[tilespmem:s26+$0x240] =	vst v10;
	v10 =	vld [tilespmem:s26+$0x2B0]  }
0x56: {  	[tilespmem:s26+$0x250] =	vst v11;
	v11 =	vld [tilespmem:s26+$0x2C0];
	v6 =	vmul.f32 v13, v6  }
0x57: {  	[tilespmem:s26+$0x260] =	vst v12;
	v12 =	vld [tilespmem:s26+$0x2D0];
	v7 =	vmul.f32 v14, v7  }
0x58: {  	v8 =	vmul.f32 v15, v8;
	[tilespmem:s26+$0x270] =	vst v6;
	v6 =	vld [tilespmem:s26+$0x2E0]  }
0x59: {  	v9 =	vmul.f32 v16, v9;
	[tilespmem:s26+$0x280] =	vst v7;
	v7 =	vld [tilespmem:s26+$0x2F0]  }
0x5a: {  	v10 =	vmul.f32 v17, v10;
	[tilespmem:s26+$0x290] =	vst v8;
	v8 =	vld [tilespmem:s26+$0x300]  }
0x5b: {  	v11 =	vmul.f32 v18, v11;
	[tilespmem:s26+$0x2A0] =	vst v9;
	v9 =	vld [tilespmem:s26+$0x310]  }
0x5c: {  	v12 =	vmul.f32 v19, v12;
	[tilespmem:s26+$0x2B0] =	vst v10;
	v10 =	vld [tilespmem:s26+$0x320]  }
0x5d: {  	[tilespmem:s26+$0x2C0] =	vst v11;
	v11 =	vld [tilespmem:s26+$0x330];
	v6 =	vmul.f32 v20, v6  }
0x5e: {  	[tilespmem:s26+$0x2D0] =	vst v12;
	v12 =	vld [tilespmem:s26+$0x340]  }
0x5f: {  	v7 =	vmul.f32 v21, v7;
	[tilespmem:s26+$0x2E0] =	vst v6;
	v6 =	vld [tilespmem:s26+$0x350]  }
0x60: {  	v0 =	vld [tilespmem:s26+$0x67F0];
	v8 =	vmul.f32 v22, v8  }
0x61: {  	[tilespmem:s26+$0x2F0] =	vst v7;
	v7 =	vmul.f32 v23, v9;
	v9 =	vld [tilespmem:s26+$0x370]  }
0x62: {  	v13 =	vld [tilespmem:s26+$0x360];
	[tilespmem:s26+$0x300] =	vst v8;
	v8 =	vmul.f32 v24, v10  }
0x63: {  	v10 =	vld [tilespmem:s26+$0x380];
	[tilespmem:s26+$0x310] =	vst v7;
	v7 =	vmul.f32 v25, v11  }
0x64: {  	[tilespmem:s26+$0x320] =	vst v8;
	v11 =	vld [tilespmem:s26+$0x390];
	v8 =	vmul.f32 v26, v12;
	v12 =	vmul.f32 v27, v6  }
0x65: {  	[tilespmem:s26+$0x330] =	vst v7;
	v7 =	vld [tilespmem:s26+$0x3A0]  }
0x66: {  	v6 =	vld [tilespmem:s26+$0x3B0];
	[tilespmem:s26+$0x350] =	vst v12;
	v12 =	vmul.f32 v29, v9  }
0x67: {  	v13 =	vmul.f32 v28, v13;
	[tilespmem:s26+$0x340] =	vst v8;
	v8 =	vld [tilespmem:s26+$0x3C0]  }
0x68: {  	v9 =	vld [tilespmem:s26+$0x3D0];
	[tilespmem:s26+$0x370] =	vst v12;
	v12 =	vmul.f32 v30, v10  }
0x69: {  	s28 =	simm.s32 $0x800;
	[tilespmem:s26+$0x360] =	vst v13;
	v11 =	vmul.f32 v31, v11;
	v10 =	vld [tilespmem:s26+$0x3E0]  }
.LBB2_3:
0x6a: {  	s29 =	sshra.s32 s28, $0x2;
	p0 =	sne.s32 s28, $0x18800;
	[tilespmem:s26+$0x380] =	vst v12;
	v5 =	vmul.f32 v5, v7;
	v7 =	vld [tilespmem:s26+$0x3F0]  }
0x6b: {  	v12 =	vld [tilespmem:s29+$0x6600];
	[tilespmem:s26+$0x390] =	vst v11;
	v4 =	vmul.f32 v4, v6  }
0x6c: {  	v6 =	vld [tilespmem:s29+$0x6610];
	[tilespmem:s26+$0x3A0] =	vst v5;
	v3 =	vmul.f32 v3, v8  }
0x6d: {  	v8 =	vld [tilespmem:s29+$0x6620];
	[tilespmem:s26+$0x3B0] =	vst v4;
	v2 =	vmul.f32 v2, v9  }
0x6e: {  	v9 =	vld [tilespmem:s29+$0x6630];
	[tilespmem:s26+$0x3C0] =	vst v3;
	v1 =	vmul.f32 v1, v10  }
0x6f: {  	v10 =	vld [tilespmem:s29+$0x6640];
	[tilespmem:s26+$0x3D0] =	vst v2;
	v0 =	vmul.f32 v0, v7  }
0x70: {  	v7 =	vld [tilespmem:s29+$0x6650];
	[tilespmem:s26+$0x3E0] =	vst v1  }
0x71: {  	v11 =	vld [tilespmem:s29+$0x6660];
	[tilespmem:s26+$0x3F0] =	vst v0;
	s26 =	smov.u32 s29  }
0x72: {  	v13 =	vld [tilespmem:s26+$0x6670]  }
0x73: {  	v14 =	vld [tilespmem:s26+$0x6680]  }
0x74: {  	v15 =	vld [tilespmem:s26+$0x6690]  }
0x75: {  	v16 =	vld [tilespmem:s26+$0x66A0]  }
0x76: {  	v17 =	vld [tilespmem:s26+$0x66B0]  }
0x77: {  	v18 =	vld [tilespmem:s26+$0x66C0]  }
0x78: {  	v19 =	vld [tilespmem:s26+$0x66D0]  }
0x79: {  	v20 =	vld [tilespmem:s26+$0x66E0]  }
0x7a: {  	v21 =	vld [tilespmem:s26+$0x66F0]  }
0x7b: {  	v22 =	vld [tilespmem:s26+$0x6700]  }
0x7c: {  	v23 =	vld [tilespmem:s26+$0x6710]  }
0x7d: {  	v24 =	vld [tilespmem:s26+$0x6720]  }
0x7e: {  	v25 =	vld [tilespmem:s26+$0x6730]  }
0x7f: {  	v26 =	vld [tilespmem:s26+$0x6740]  }
0x80: {  	v27 =	vld [tilespmem:s26+$0x6750]  }
0x81: {  	v28 =	vld [tilespmem:s26+$0x6760]  }
0x82: {  	v29 =	vld [tilespmem:s26+$0x6770]  }
0x83: {  	v30 =	vld [tilespmem:s26+$0x6780]  }
0x84: {  	v31 =	vld [tilespmem:s26+$0x6790]  }
0x85: {  	v5 =	vld [tilespmem:s26+$0x67A0]  }
0x86: {  	v4 =	vld [tilespmem:s26+$0x67B0]  }
0x87: {  	v3 =	vld [tilespmem:s26+$0x67C0]  }
0x88: {  	v2 =	vld [tilespmem:s26+$0x67D0]  }
0x89: {  	v1 =	vld [tilespmem:s26+$0x67E0]  }
0x8a: {  	v0 =	vld [tilespmem:s26+$0x67F0]  }
0x8b: {  	v32 =	vld [tilespmem:s26+$0x200]  }
0x8c: {  	v33 =	vld [tilespmem:s26+$0x210]  }
0x8d: {  	v34 =	vld [tilespmem:s26+$0x220]  }
0x8e: {  	v35 =	vld [tilespmem:s26+$0x230]  }
0x8f: {  	v36 =	vld [tilespmem:s26+$0x240]  }
0x90: {  	v12 =	vmul.f32 v12, v32;
	v32 =	vld [tilespmem:s26+$0x250]  }
0x91: {  	v6 =	vmul.f32 v6, v33;
	v33 =	vld [tilespmem:s26+$0x260]  }
0x92: {  	[tilespmem:s26+$0x200] =	vst v12;
	v8 =	vmul.f32 v8, v34;
	v12 =	vld [tilespmem:s26+$0x270]  }
0x93: {  	[tilespmem:s26+$0x210] =	vst v6;
	v6 =	vmul.f32 v9, v35;
	v9 =	vld [tilespmem:s26+$0x280]  }
0x94: {  	[tilespmem:s26+$0x220] =	vst v8;
	v8 =	vmul.f32 v10, v36;
	v10 =	vld [tilespmem:s26+$0x290]  }
0x95: {  	[tilespmem:s26+$0x230] =	vst v6;
	v6 =	vmul.f32 v7, v32;
	v7 =	vld [tilespmem:s26+$0x2A0]  }
0x96: {  	[tilespmem:s26+$0x240] =	vst v8;
	v8 =	vmul.f32 v11, v33;
	v11 =	vld [tilespmem:s26+$0x2B0]  }
0x97: {  	[tilespmem:s26+$0x250] =	vst v6;
	v6 =	vmul.f32 v13, v12;
	v12 =	vld [tilespmem:s26+$0x2C0]  }
0x98: {  	[tilespmem:s26+$0x260] =	vst v8;
	v8 =	vmul.f32 v14, v9;
	v9 =	vld [tilespmem:s26+$0x2D0]  }
0x99: {  	[tilespmem:s26+$0x270] =	vst v6;
	v6 =	vmul.f32 v15, v10;
	v10 =	vld [tilespmem:s26+$0x2E0]  }
0x9a: {  	[tilespmem:s26+$0x280] =	vst v8;
	v7 =	vmul.f32 v16, v7;
	v8 =	vld [tilespmem:s26+$0x2F0]  }
0x9b: {  	[tilespmem:s26+$0x290] =	vst v6;
	v6 =	vmul.f32 v17, v11;
	v11 =	vld [tilespmem:s26+$0x300]  }
0x9c: {  	[tilespmem:s26+$0x2A0] =	vst v7;
	v7 =	vmul.f32 v18, v12;
	v12 =	vld [tilespmem:s26+$0x310]  }
0x9d: {  	[tilespmem:s26+$0x2B0] =	vst v6;
	v6 =	vmul.f32 v19, v9;
	v9 =	vld [tilespmem:s26+$0x320]  }
0x9e: {  	[tilespmem:s26+$0x2C0] =	vst v7;
	v7 =	vmul.f32 v20, v10;
	v10 =	vld [tilespmem:s26+$0x330]  }
0x9f: {  	[tilespmem:s26+$0x2D0] =	vst v6;
	v6 =	vmul.f32 v21, v8;
	v8 =	vld [tilespmem:s26+$0x340]  }
0xa0: {  	[tilespmem:s26+$0x2E0] =	vst v7;
	v7 =	vmul.f32 v22, v11;
	v11 =	vld [tilespmem:s26+$0x350]  }
0xa1: {  	[tilespmem:s26+$0x2F0] =	vst v6;
	v6 =	vmul.f32 v23, v12;
	v12 =	vld [tilespmem:s26+$0x360]  }
0xa2: {  	[tilespmem:s26+$0x300] =	vst v7;
	v7 =	vmul.f32 v24, v9;
	v9 =	vld [tilespmem:s26+$0x370]  }
0xa3: {  	[tilespmem:s26+$0x310] =	vst v6;
	v6 =	vmul.f32 v25, v10;
	v10 =	vld [tilespmem:s26+$0x380]  }
0xa4: {  	[tilespmem:s26+$0x320] =	vst v7;
	v8 =	vmul.f32 v26, v8;
	v13 =	vld [tilespmem:s26+$0x390]  }
.Ltmp0:
0xa5: {  	[tilespmem:s26+$0x330] =	vst v6;
	v11 =	vmul.f32 v27, v11;
	v7 =	vld [tilespmem:s26+$0x3A0];
	(pc) =	sbr.rel @p0 .LBB2_3-.Ltmp0, $4  }
0xa6: {  	[tilespmem:s26+$0x340] =	vst v8;
	v12 =	vmul.f32 v28, v12;
	v6 =	vld [tilespmem:s26+$0x3B0]  }
0xa7: {  	[tilespmem:s26+$0x350] =	vst v11;
	v11 =	vmul.f32 v29, v9;
	v8 =	vld [tilespmem:s26+$0x3C0]  }
0xa8: {  	[tilespmem:s26+$0x360] =	vst v12;
	v12 =	vmul.f32 v30, v10;
	v9 =	vld [tilespmem:s26+$0x3D0]  }
0xa9: {  	s28 =	sadd.s32 $0x800, s28;
	[tilespmem:s26+$0x370] =	vst v11;
	v11 =	vmul.f32 v31, v13;
	v10 =	vld [tilespmem:s26+$0x3E0]  }
0xaa: {  	[tilespmem:s26+$0x380] =	vst v12;
	v5 =	vmul.f32 v5, v7;
	v63 =	vld [tilespmem:s26+$0x3F0]  }
0xab: {  	[tilespmem:s26+$0x390] =	vst v11;
	v4 =	vmul.f32 v4, v6  }
0xac: {  	[tilespmem:s26+$0x3A0] =	vst v5;
	v3 =	vmul.f32 v3, v8  }
0xad: {  	[tilespmem:s26+$0x3B0] =	vst v4;
	v2 =	vmul.f32 v2, v9  }
0xae: {  	s25 =	sshll.u32 s25, $0x7;
	[tilespmem:s26+$0x3C0] =	vst v3;
	v1 =	vmul.f32 v1, v10  }
0xaf: {  	s25 =	sadd.s32 s11, s25;
	[tilespmem:s26+$0x3D0] =	vst v2;
	v0 =	vmul.f32 v0, v63  }
0xb0: {  	s24 =	sadd.s32 $0x1, s24;
	s25 =	sshrl.u32 s25, $0x3;
	[tilespmem:s26+$0x3E0] =	vst v1  }
0xb1: {  	p0 =	sne.s32 s24, $0x32;
	s31 =	sadd.s32 s5, s25;
	[tilespmem:s26+$0x3F0] =	vst v0  }
0xb2: {  	[hbm4b:s31+s1] =	stream.linear.scatter [tilespmem:s16], [sflag:$0x4], $0x6400, $0x38;
	[tilespmem:$0x12E00] =	vst v63  }
.Ltmp1:
0xb3: {  	_ = 	snop;
	(pc) =	sbr.rel @p0 .LBB2_2-.Ltmp1, $4  }
0xb4: {  	_ =	swait.ge [sflag:s21], $0x6400  }
0xb5: {  	[sflag:s21] =	ssyncset.done $0x0  }
0xb6: {  	s25 =	sadd.s32 s6, s25;
	[sflag:s21] =	ssyncadd.s32 $0xFFFF9C00  }
0xb7: {  	[hbm4b:s25+s1] =	stream.linear.scatter [tilespmem:s18], [sflag:$0x4], $0x6400, $0x38;
	[tilespmem:$0x12E00] =	vst v63  }
0xb8: {  	s23 =	sadd.s32 $0x1, s23  }
0xb9: {  	_ =	swait.ge [sflag:s22], $0x6400;
	p0 =	sne.s32 s23, s12  }
.Ltmp2:
0xba: {  	[sflag:s22] =	ssyncset.done $0x0;
	(pc) =	sbr.rel @p0 .LBB2_1-.Ltmp2, $4  }
0xbb: {  	[sflag:s22] =	ssyncadd.s32 $0xFFFF9C00  }
0xbc: {  	_ =	swait.ge [sflag:s22], $0x6400  }
0xbd: {  	[sflag:s22] =	ssyncset.done $0x0  }
0xbe: {  	[sflag:s22] =	ssyncadd.s32 $0xFFFF9C00  }
0xbf: {  	_ =	sfence.sel $0x180000  }
0xc0: {  	[bflag:$0x0] =	sbarrier.arrive $0xFFFF  }
0xc1: {  	p0 =	sne.s32 s3, $0x0;
	_ =	strace $0x90000047  }
0xc2: {  	s0 =	sadd.s32 @!p0 $0x100000, s0;
	[bflag:$0x2] =	sbarrier.arrive $0xFFFF  }
0xc3: {  	[sflag:s0] =	ssyncadd.tile.s32 @!p0 $0x1;
	_ =	shalt  }
.Lfunc_end2:
_tile_overlayer_lowered:
.L_overlay_start_2:
0xc4: {  	(tag) =	ssettag $0x2  }
0xc5: {  	s0 =	rddreg [dreg:$0x0];
	s2 =	stileid.u32  }
0xc6: {  	s1 =	rddreg [dreg:$0x1];
	p0 =	sne.s32 s2, $0x0  }
0xc7: {  	s3 =	rddreg [dreg:$0x2];
	[bflag:$0x3] =	sbarrier.arrive $0xFFFF;
	s2 =	simm.s32 @!p0 $0x1C05  }
0xc8: {  	[timem:s3], [sflag:s2] =	dma.local @!p0 [hbm:s0], s1  }
0xc9: {  	s0 =	simm.s32 @!p0 $0x5  }
0xca: {  	_ =	swait.ge @!p0 [sflag:s0], s1  }
0xcb: {  	s1 =	ssub.s32 @!p0 $0x0, s1;
	[sflag:s0] =	ssyncset.done @!p0 $0x0  }
0xcc: {  	[sflag:s0] =	ssyncadd.s32 @!p0 s1  }
0xcd: {  	[bflag:$0x3] =	sbarrier.arrive $0xFFFF  }
0xce: {  	_ =	shalt  }

</sc_bundles>
